<compile_context>
chip_gen: v7x
topology: tpu7x:2x2x1
jax: 0.10.2.dev20260603
libtpu: 0.0.44.dev20260713+nightly
codegen_flags: <defaults>
</compile_context>

<pallas_src>
import functools

import jax
import jax.numpy as jnp
from jax import lax
from jax.experimental import pallas as pl
from jax.experimental.pallas import tpu as pltpu
from jax.experimental.pallas import tpu_sc as plsc

B = 100000
D = 128
C = 128
NW = 32
NBUF = 7
AHEAD = 4
NCHUNKS = -(-B // C)
LAST_BASE = B - C
CPW = -(-NCHUNKS // NW)
FULL_W = NCHUNKS - (CPW - 1) * NW
LAG = NBUF - AHEAD
ROUNDS = -(-(CPW + LAG) // NBUF)


def _sc_gather(idx, table):
    mesh = plsc.VectorSubcoreMesh(core_axis_name="c", subcore_axis_name="s")

    @functools.partial(
        pl.kernel,
        mesh=mesh,
        out_type=jax.ShapeDtypeStruct((B, D), jnp.float32),
        scratch_types=[
            pltpu.VMEM((CPW, C), jnp.int32),
            pltpu.VMEM((NBUF, C, D), jnp.float32),
            pltpu.VMEM_SHARED((119, D), jnp.float32),
            pltpu.SemaphoreType.DMA,
            *[pltpu.SemaphoreType.DMA] * NBUF,
            *[pltpu.SemaphoreType.DMA] * NBUF,
        ],
    )
    def k(idx_hbm, table_hbm, out_hbm, idx_all, rows, table_v, sem_i,
          g0, g1, g2, g3, g4, g5, g6, s0, s1, s2, s3, s4, s5, s6):
        gsem = [g0, g1, g2, g3, g4, g5, g6]
        ssem = [s0, s1, s2, s3, s4, s5, s6]
        wid = lax.axis_index("s") * 2 + lax.axis_index("c")
        cnt = (CPW - 1) + (wid < FULL_W).astype(jnp.int32)

        def base_of(j):
            return jnp.minimum((wid + j * NW) * C, LAST_BASE)

        def fire_idx(j, carry):
            pltpu.async_copy(idx_hbm.at[pl.ds(base_of(j), C)],
                             idx_all.at[j], sem_i)
            return carry

        def drain_idx(j, carry):
            pltpu.make_async_copy(idx_hbm.at[pl.ds(0, C)],
                                  idx_all.at[j], sem_i).wait()
            return carry

        lax.fori_loop(0, cnt, fire_idx, 0)

        pl.when(lax.axis_index("s") == 0)(
            lambda: pltpu.sync_copy(table_hbm, table_v))
        plsc.subcore_barrier()

        lax.fori_loop(0, cnt, drain_idx, 0)

        def gather(j, b):
            return pltpu.make_async_copy(table_v.at[idx_all.at[j]],
                                         rows.at[b], gsem[b])

        def store(j, b):
            return pltpu.make_async_copy(rows.at[b],
                                         out_hbm.at[pl.ds(base_of(j), C)],
                                         ssem[b])

        for b in range(AHEAD):
            gather(b, b).start()

        def round_body(r, carry):
            for b in range(NBUF):
                j = r * NBUF + b
                bn = (b + AHEAD) % NBUF

                def part_a(j=j, b=b):
                    gather(j, b).wait()
                    store(j, b).start()

                def part_b(j=j, bn=bn):
                    store(j - LAG, bn).wait()

                def part_c(j=j, bn=bn):
                    gather(j + AHEAD, bn).start()

                pl.when(j < cnt)(part_a)
                pl.when((j >= LAG) & (j - LAG < cnt))(part_b)
                pl.when(j + AHEAD < cnt)(part_c)
            return carry

        lax.fori_loop(0, ROUNDS, round_body, 0)

    return k(idx, table)


def kernel(atomic_numbers, table):
    idx = atomic_numbers.astype(jnp.int32)
    return _sc_gather(idx, table)

# --- scband reference (transcript-rebuilt; emitter-appended) ---
"""Pipeline reference for scband-atom-embedding-61821759258651 (READ-ONLY COPY).

The authoritative reference and input builder live on the scoring server;
editing this copy changes nothing except your own understanding.
"""

import jax, jax.numpy as jnp
import numpy as np

NUM_ATOMS = 100000
EMB_SIZE = 128
NUM_ELEMENTS = 118  # table has NUM_ELEMENTS + 1 = 119 rows


def setup_inputs(seed: int = 0) -> dict:
    key = jax.random.key(seed)
    k_idx, k_tab = jax.random.split(key)
    atomic_numbers = jax.random.randint(k_idx, (NUM_ATOMS,), 0, NUM_ELEMENTS + 1, dtype=jnp.int64 if jax.config.jax_enable_x64 else jnp.int32)
    sqrt3 = float(np.sqrt(3))
    table = jax.random.uniform(k_tab, (NUM_ELEMENTS + 1, EMB_SIZE), dtype=jnp.float32, minval=-sqrt3, maxval=sqrt3)
    return {"atomic_numbers": atomic_numbers, "table": table}


def reference(atomic_numbers, table):
    # h = Embedding(atomic_numbers) -> gather rows from the table
    idx = atomic_numbers.astype(jnp.int32)
    h = jnp.take(table, idx, axis=0)
    return h

if __name__ == "__main__":
    import jax
    _d = setup_inputs()
    print(jax.jit(kernel)(*tuple(_d.values())))

</pallas_src>

<mosaic_0001>
#map = affine_map<(d0, d1) -> (0)>
#map1 = affine_map<(d0, d1) -> (0, 0)>
module attributes {stable_mosaic.version = 14 : i64} {
  func.func @k(%arg0: i32, %arg1: i32, %arg2: memref<100000xi32, #tpu.memory_space<hbm>>, %arg3: memref<119x128xf32, #tpu.memory_space<hbm>>, %arg4: memref<100000x128xf32, #tpu.memory_space<hbm>>, %arg5: memref<25x128xi32, #tpu.memory_space<vmem>>, %arg6: memref<7x128x128xf32, #tpu.memory_space<vmem>>, %arg7: memref<119x128xf32, #tpu.memory_space<vmem_shared>>, %arg8: memref<!tpu.dma_semaphore, #tpu.memory_space<semaphore_mem>>, %arg9: memref<!tpu.dma_semaphore, #tpu.memory_space<semaphore_mem>>, %arg10: memref<!tpu.dma_semaphore, #tpu.memory_space<semaphore_mem>>, %arg11: memref<!tpu.dma_semaphore, #tpu.memory_space<semaphore_mem>>, %arg12: memref<!tpu.dma_semaphore, #tpu.memory_space<semaphore_mem>>, %arg13: memref<!tpu.dma_semaphore, #tpu.memory_space<semaphore_mem>>, %arg14: memref<!tpu.dma_semaphore, #tpu.memory_space<semaphore_mem>>, %arg15: memref<!tpu.dma_semaphore, #tpu.memory_space<semaphore_mem>>, %arg16: memref<!tpu.dma_semaphore, #tpu.memory_space<semaphore_mem>>, %arg17: memref<!tpu.dma_semaphore, #tpu.memory_space<semaphore_mem>>, %arg18: memref<!tpu.dma_semaphore, #tpu.memory_space<semaphore_mem>>, %arg19: memref<!tpu.dma_semaphore, #tpu.memory_space<semaphore_mem>>, %arg20: memref<!tpu.dma_semaphore, #tpu.memory_space<semaphore_mem>>, %arg21: memref<!tpu.dma_semaphore, #tpu.memory_space<semaphore_mem>>, %arg22: memref<!tpu.dma_semaphore, #tpu.memory_space<semaphore_mem>>) attributes {dimension_semantics = [#tpu.dimension_semantics<core_parallel>, #tpu.dimension_semantics<subcore_parallel>], iteration_bounds = array<i64: 2, 16>, scalar_prefetch = 0 : i64, scratch_operands = 18 : i64, tpu.core_type = #tpu.core_type<sc_vector_subcore>, window_params = [{transform_indices = #map}, {transform_indices = #map1}, {transform_indices = #map1}]} {
    %mul3A = arith.constant 2 : i32
    %mul3A_0 = arith.muli %arg1, %mul3A : i32
    %add3A = arith.addi %mul3A_0, %arg0 : i32
    %lt3A = arith.constant 14 : i32
    %lt3A_1 = arith.cmpi slt, %add3A, %lt3A : i32
    %convert_element_type3A = arith.extui %lt3A_1 : i1 to i32
    %add3A_2 = arith.constant 24 : i32
    %add3A_3 = arith.addi %add3A_2, %convert_element_type3A : i32
    %while3A = arith.constant 0 : i32
    %while3A_4 = arith.constant 0 : i32
    %while3A_5 = arith.subi %add3A_3, %while3A_4 : i32
    %while3A_6 = arith.addi %while3A_4, %while3A_5 : i32
    %while3A_7 = arith.constant 1 : i32
    %while3A_8 = arith.divsi %while3A_5, %while3A_7 : i32
    %while3A_9 = arith.muli %while3A_8, %while3A_7 : i32
    %while3A_10 = arith.addi %while3A_4, %while3A_9 : i32
    %while3A_11 = arith.constant 1 : i32
    scf.for %while3A_78 = %while3A_4 to %while3A_10 step %while3A_11  : i32 {
      %mul3A_79 = arith.constant 32 : i32
      %mul3A_80 = arith.muli %while3A_78, %mul3A_79 : i32
      %add3A_81 = arith.addi %add3A, %mul3A_80 : i32
      %mul3A_82 = arith.constant 128 : i32
      %mul3A_83 = arith.muli %add3A_81, %mul3A_82 : i32
      %min3A = arith.constant 99872 : i32
      %min3A_84 = arith.minsi %mul3A_83, %min3A : i32
      %dma_start3A_85 = arith.constant 0 : i32
      %dma_start3A_86 = tpu.memref_slice %arg5[%while3A_78, %dma_start3A_85] : memref<25x128xi32, #tpu.memory_space<vmem>> -> memref<1x128xi32, #tpu.memory_space<vmem>>
      %dma_start3A_87 = tpu.memref_squeeze %dma_start3A_86 : memref<1x128xi32, #tpu.memory_space<vmem>> -> memref<128xi32, #tpu.memory_space<vmem>>
      %dma_start3A_88 = tpu.memref_slice %arg2[%min3A_84] : memref<100000xi32, #tpu.memory_space<hbm>> -> memref<128xi32, #tpu.memory_space<hbm>>
      %dma_start3A_89 = arith.constant 0 : i32
      %dma_start3A_90 = tpu.memref_slice %arg5[%while3A_78, %dma_start3A_89] : memref<25x128xi32, #tpu.memory_space<vmem>> -> memref<1x128xi32, #tpu.memory_space<vmem>>
      %dma_start3A_91 = tpu.memref_squeeze %dma_start3A_90 : memref<1x128xi32, #tpu.memory_space<vmem>> -> memref<128xi32, #tpu.memory_space<vmem>>
      %dma_start3A_92 = tpu.memref_slice %arg2[%min3A_84] : memref<100000xi32, #tpu.memory_space<hbm>> -> memref<128xi32, #tpu.memory_space<hbm>>
      tpu.enqueue_dma source(%dma_start3A_92 : memref<128xi32, #tpu.memory_space<hbm>>) target(%dma_start3A_91 : memref<128xi32, #tpu.memory_space<vmem>>) target_semaphore(%arg8 : memref<!tpu.dma_semaphore, #tpu.memory_space<semaphore_mem>>)
    }
    %while3A_12 = arith.constant 1 : i32
    scf.for %while3A_78 = %while3A_10 to %while3A_6 step %while3A_12  : i32 {
      %mul3A_79 = arith.constant 32 : i32
      %mul3A_80 = arith.muli %while3A_78, %mul3A_79 : i32
      %add3A_81 = arith.addi %add3A, %mul3A_80 : i32
      %mul3A_82 = arith.constant 128 : i32
      %mul3A_83 = arith.muli %add3A_81, %mul3A_82 : i32
      %min3A = arith.constant 99872 : i32
      %min3A_84 = arith.minsi %mul3A_83, %min3A : i32
      %dma_start3A_85 = arith.constant 0 : i32
      %dma_start3A_86 = tpu.memref_slice %arg5[%while3A_78, %dma_start3A_85] : memref<25x128xi32, #tpu.memory_space<vmem>> -> memref<1x128xi32, #tpu.memory_space<vmem>>
      %dma_start3A_87 = tpu.memref_squeeze %dma_start3A_86 : memref<1x128xi32, #tpu.memory_space<vmem>> -> memref<128xi32, #tpu.memory_space<vmem>>
      %dma_start3A_88 = tpu.memref_slice %arg2[%min3A_84] : memref<100000xi32, #tpu.memory_space<hbm>> -> memref<128xi32, #tpu.memory_space<hbm>>
      %dma_start3A_89 = arith.constant 0 : i32
      %dma_start3A_90 = tpu.memref_slice %arg5[%while3A_78, %dma_start3A_89] : memref<25x128xi32, #tpu.memory_space<vmem>> -> memref<1x128xi32, #tpu.memory_space<vmem>>
      %dma_start3A_91 = tpu.memref_squeeze %dma_start3A_90 : memref<1x128xi32, #tpu.memory_space<vmem>> -> memref<128xi32, #tpu.memory_space<vmem>>
      %dma_start3A_92 = tpu.memref_slice %arg2[%min3A_84] : memref<100000xi32, #tpu.memory_space<hbm>> -> memref<128xi32, #tpu.memory_space<hbm>>
      tpu.enqueue_dma source(%dma_start3A_92 : memref<128xi32, #tpu.memory_space<hbm>>) target(%dma_start3A_91 : memref<128xi32, #tpu.memory_space<vmem>>) target_semaphore(%arg8 : memref<!tpu.dma_semaphore, #tpu.memory_space<semaphore_mem>>)
    }
    %eq3A = arith.constant 0 : i32
    %eq3A_13 = arith.cmpi eq, %arg1, %eq3A : i32
    %convert_element_type3A_14 = arith.extui %eq3A_13 : i1 to i32
    %cond3A = arith.constant 0 : i32
    %cond3A_15 = arith.cmpi ne, %convert_element_type3A_14, %cond3A : i32
    scf.if %cond3A_15 {
      "tpu.region"() ({
        %run_scoped3A = tpu.sem_alloc : memref<!tpu.dma_semaphore, #tpu.memory_space<semaphore_mem>>
        tpu.enqueue_dma source(%arg3 : memref<119x128xf32, #tpu.memory_space<hbm>>) target(%arg7 : memref<119x128xf32, #tpu.memory_space<vmem_shared>>) target_semaphore(%run_scoped3A : memref<!tpu.dma_semaphore, #tpu.memory_space<semaphore_mem>>)
        tpu.wait_dma2 semaphore(%run_scoped3A : memref<!tpu.dma_semaphore, #tpu.memory_space<semaphore_mem>>) src(%arg3 : memref<119x128xf32, #tpu.memory_space<hbm>>) dst(%arg7 : memref<119x128xf32, #tpu.memory_space<vmem_shared>>)
        tpu.yield
      }) : () -> ()
    } else {
    }
    %barrier3A = arith.constant 0 : index
    tpu.barrier barrier_id(%barrier3A)
    %while3A_16 = arith.constant 0 : i32
    %while3A_17 = arith.constant 0 : i32
    %while3A_18 = arith.subi %add3A_3, %while3A_17 : i32
    %while3A_19 = arith.addi %while3A_17, %while3A_18 : i32
    %while3A_20 = arith.constant 1 : i32
    %while3A_21 = arith.divsi %while3A_18, %while3A_20 : i32
    %while3A_22 = arith.muli %while3A_21, %while3A_20 : i32
    %while3A_23 = arith.addi %while3A_17, %while3A_22 : i32
    %while3A_24 = arith.constant 1 : i32
    scf.for %while3A_78 = %while3A_17 to %while3A_23 step %while3A_24  : i32 {
      %dma_wait3A = arith.constant 0 : i32
      %dma_wait3A_79 = tpu.memref_slice %arg5[%while3A_78, %dma_wait3A] : memref<25x128xi32, #tpu.memory_space<vmem>> -> memref<1x128xi32, #tpu.memory_space<vmem>>
      %dma_wait3A_80 = tpu.memref_squeeze %dma_wait3A_79 : memref<1x128xi32, #tpu.memory_space<vmem>> -> memref<128xi32, #tpu.memory_space<vmem>>
      %dma_wait3A_81 = arith.constant 0 : i32
      %dma_wait3A_82 = tpu.memref_slice %arg2[%dma_wait3A_81] : memref<100000xi32, #tpu.memory_space<hbm>> -> memref<128xi32, #tpu.memory_space<hbm>>
      %dma_wait3A_83 = arith.constant 0 : i32
      %dma_wait3A_84 = tpu.memref_slice %arg5[%while3A_78, %dma_wait3A_83] : memref<25x128xi32, #tpu.memory_space<vmem>> -> memref<1x128xi32, #tpu.memory_space<vmem>>
      %dma_wait3A_85 = tpu.memref_squeeze %dma_wait3A_84 : memref<1x128xi32, #tpu.memory_space<vmem>> -> memref<128xi32, #tpu.memory_space<vmem>>
      %dma_wait3A_86 = arith.constant 0 : i32
      %dma_wait3A_87 = tpu.memref_slice %arg2[%dma_wait3A_86] : memref<100000xi32, #tpu.memory_space<hbm>> -> memref<128xi32, #tpu.memory_space<hbm>>
      tpu.wait_dma2 semaphore(%arg8 : memref<!tpu.dma_semaphore, #tpu.memory_space<semaphore_mem>>) src(%dma_wait3A_87 : memref<128xi32, #tpu.memory_space<hbm>>) dst(%dma_wait3A_85 : memref<128xi32, #tpu.memory_space<vmem>>)
    }
    %while3A_25 = arith.constant 1 : i32
    scf.for %while3A_78 = %while3A_23 to %while3A_19 step %while3A_25  : i32 {
      %dma_wait3A = arith.constant 0 : i32
      %dma_wait3A_79 = tpu.memref_slice %arg5[%while3A_78, %dma_wait3A] : memref<25x128xi32, #tpu.memory_space<vmem>> -> memref<1x128xi32, #tpu.memory_space<vmem>>
      %dma_wait3A_80 = tpu.memref_squeeze %dma_wait3A_79 : memref<1x128xi32, #tpu.memory_space<vmem>> -> memref<128xi32, #tpu.memory_space<vmem>>
      %dma_wait3A_81 = arith.constant 0 : i32
      %dma_wait3A_82 = tpu.memref_slice %arg2[%dma_wait3A_81] : memref<100000xi32, #tpu.memory_space<hbm>> -> memref<128xi32, #tpu.memory_space<hbm>>
      %dma_wait3A_83 = arith.constant 0 : i32
      %dma_wait3A_84 = tpu.memref_slice %arg5[%while3A_78, %dma_wait3A_83] : memref<25x128xi32, #tpu.memory_space<vmem>> -> memref<1x128xi32, #tpu.memory_space<vmem>>
      %dma_wait3A_85 = tpu.memref_squeeze %dma_wait3A_84 : memref<1x128xi32, #tpu.memory_space<vmem>> -> memref<128xi32, #tpu.memory_space<vmem>>
      %dma_wait3A_86 = arith.constant 0 : i32
      %dma_wait3A_87 = tpu.memref_slice %arg2[%dma_wait3A_86] : memref<100000xi32, #tpu.memory_space<hbm>> -> memref<128xi32, #tpu.memory_space<hbm>>
      tpu.wait_dma2 semaphore(%arg8 : memref<!tpu.dma_semaphore, #tpu.memory_space<semaphore_mem>>) src(%dma_wait3A_87 : memref<128xi32, #tpu.memory_space<hbm>>) dst(%dma_wait3A_85 : memref<128xi32, #tpu.memory_space<vmem>>)
    }
    %dma_start3A = arith.constant 0 : i32
    %dma_start3A_26 = arith.constant 0 : i32
    %dma_start3A_27 = arith.constant 0 : i32
    %dma_start3A_28 = arith.constant 0 : i32
    %dma_start3A_29 = tpu.memref_slice %arg6[%dma_start3A_26, %dma_start3A_27, %dma_start3A_28] : memref<7x128x128xf32, #tpu.memory_space<vmem>> -> memref<1x128x128xf32, #tpu.memory_space<vmem>>
    %dma_start3A_30 = tpu.memref_squeeze %dma_start3A_29 : memref<1x128x128xf32, #tpu.memory_space<vmem>> -> memref<128x128xf32, #tpu.memory_space<vmem>>
    %dma_start3A_31 = arith.constant 0 : i32
    %dma_start3A_32 = tpu.memref_slice %arg5[%dma_start3A, %dma_start3A_31] : memref<25x128xi32, #tpu.memory_space<vmem>> -> memref<1x128xi32, #tpu.memory_space<vmem>>
    %dma_start3A_33 = tpu.memref_squeeze %dma_start3A_32 : memref<1x128xi32, #tpu.memory_space<vmem>> -> memref<128xi32, #tpu.memory_space<vmem>>
    %dma_start3A_34 = arith.constant 0 : i32
    %dma_start3A_35 = arith.constant 0 : i32
    %dma_start3A_36 = tpu.memref_slice %arg7[%dma_start3A_34, %dma_start3A_35] : memref<119x128xf32, #tpu.memory_space<vmem_shared>> -> memref<119x128xf32, #tpu.memory_space<vmem_shared>>
    tpu.enqueue_indirect_dma source(%dma_start3A_36 : memref<119x128xf32, #tpu.memory_space<vmem_shared>>) target(%dma_start3A_30 : memref<128x128xf32, #tpu.memory_space<vmem>>) offsets(%dma_start3A_33 : memref<128xi32, #tpu.memory_space<vmem>>) semaphore(%arg9 : memref<!tpu.dma_semaphore, #tpu.memory_space<semaphore_mem>>)
    %dma_start3A_37 = arith.constant 1 : i32
    %dma_start3A_38 = arith.constant 1 : i32
    %dma_start3A_39 = arith.constant 0 : i32
    %dma_start3A_40 = arith.constant 0 : i32
    %dma_start3A_41 = tpu.memref_slice %arg6[%dma_start3A_38, %dma_start3A_39, %dma_start3A_40] : memref<7x128x128xf32, #tpu.memory_space<vmem>> -> memref<1x128x128xf32, #tpu.memory_space<vmem>>
    %dma_start3A_42 = tpu.memref_squeeze %dma_start3A_41 : memref<1x128x128xf32, #tpu.memory_space<vmem>> -> memref<128x128xf32, #tpu.memory_space<vmem>>
    %dma_start3A_43 = arith.constant 0 : i32
    %dma_start3A_44 = tpu.memref_slice %arg5[%dma_start3A_37, %dma_start3A_43] : memref<25x128xi32, #tpu.memory_space<vmem>> -> memref<1x128xi32, #tpu.memory_space<vmem>>
    %dma_start3A_45 = tpu.memref_squeeze %dma_start3A_44 : memref<1x128xi32, #tpu.memory_space<vmem>> -> memref<128xi32, #tpu.memory_space<vmem>>
    %dma_start3A_46 = arith.constant 0 : i32
    %dma_start3A_47 = arith.constant 0 : i32
    %dma_start3A_48 = tpu.memref_slice %arg7[%dma_start3A_46, %dma_start3A_47] : memref<119x128xf32, #tpu.memory_space<vmem_shared>> -> memref<119x128xf32, #tpu.memory_space<vmem_shared>>
    tpu.enqueue_indirect_dma source(%dma_start3A_48 : memref<119x128xf32, #tpu.memory_space<vmem_shared>>) target(%dma_start3A_42 : memref<128x128xf32, #tpu.memory_space<vmem>>) offsets(%dma_start3A_45 : memref<128xi32, #tpu.memory_space<vmem>>) semaphore(%arg10 : memref<!tpu.dma_semaphore, #tpu.memory_space<semaphore_mem>>)
    %dma_start3A_49 = arith.constant 2 : i32
    %dma_start3A_50 = arith.constant 2 : i32
    %dma_start3A_51 = arith.constant 0 : i32
    %dma_start3A_52 = arith.constant 0 : i32
    %dma_start3A_53 = tpu.memref_slice %arg6[%dma_start3A_50, %dma_start3A_51, %dma_start3A_52] : memref<7x128x128xf32, #tpu.memory_space<vmem>> -> memref<1x128x128xf32, #tpu.memory_space<vmem>>
    %dma_start3A_54 = tpu.memref_squeeze %dma_start3A_53 : memref<1x128x128xf32, #tpu.memory_space<vmem>> -> memref<128x128xf32, #tpu.memory_space<vmem>>
    %dma_start3A_55 = arith.constant 0 : i32
    %dma_start3A_56 = tpu.memref_slice %arg5[%dma_start3A_49, %dma_start3A_55] : memref<25x128xi32, #tpu.memory_space<vmem>> -> memref<1x128xi32, #tpu.memory_space<vmem>>
    %dma_start3A_57 = tpu.memref_squeeze %dma_start3A_56 : memref<1x128xi32, #tpu.memory_space<vmem>> -> memref<128xi32, #tpu.memory_space<vmem>>
    %dma_start3A_58 = arith.constant 0 : i32
    %dma_start3A_59 = arith.constant 0 : i32
    %dma_start3A_60 = tpu.memref_slice %arg7[%dma_start3A_58, %dma_start3A_59] : memref<119x128xf32, #tpu.memory_space<vmem_shared>> -> memref<119x128xf32, #tpu.memory_space<vmem_shared>>
    tpu.enqueue_indirect_dma source(%dma_start3A_60 : memref<119x128xf32, #tpu.memory_space<vmem_shared>>) target(%dma_start3A_54 : memref<128x128xf32, #tpu.memory_space<vmem>>) offsets(%dma_start3A_57 : memref<128xi32, #tpu.memory_space<vmem>>) semaphore(%arg11 : memref<!tpu.dma_semaphore, #tpu.memory_space<semaphore_mem>>)
    %dma_start3A_61 = arith.constant 3 : i32
    %dma_start3A_62 = arith.constant 3 : i32
    %dma_start3A_63 = arith.constant 0 : i32
    %dma_start3A_64 = arith.constant 0 : i32
    %dma_start3A_65 = tpu.memref_slice %arg6[%dma_start3A_62, %dma_start3A_63, %dma_start3A_64] : memref<7x128x128xf32, #tpu.memory_space<vmem>> -> memref<1x128x128xf32, #tpu.memory_space<vmem>>
    %dma_start3A_66 = tpu.memref_squeeze %dma_start3A_65 : memref<1x128x128xf32, #tpu.memory_space<vmem>> -> memref<128x128xf32, #tpu.memory_space<vmem>>
    %dma_start3A_67 = arith.constant 0 : i32
    %dma_start3A_68 = tpu.memref_slice %arg5[%dma_start3A_61, %dma_start3A_67] : memref<25x128xi32, #tpu.memory_space<vmem>> -> memref<1x128xi32, #tpu.memory_space<vmem>>
    %dma_start3A_69 = tpu.memref_squeeze %dma_start3A_68 : memref<1x128xi32, #tpu.memory_space<vmem>> -> memref<128xi32, #tpu.memory_space<vmem>>
    %dma_start3A_70 = arith.constant 0 : i32
    %dma_start3A_71 = arith.constant 0 : i32
    %dma_start3A_72 = tpu.memref_slice %arg7[%dma_start3A_70, %dma_start3A_71] : memref<119x128xf32, #tpu.memory_space<vmem_shared>> -> memref<119x128xf32, #tpu.memory_space<vmem_shared>>
    tpu.enqueue_indirect_dma source(%dma_start3A_72 : memref<119x128xf32, #tpu.memory_space<vmem_shared>>) target(%dma_start3A_66 : memref<128x128xf32, #tpu.memory_space<vmem>>) offsets(%dma_start3A_69 : memref<128xi32, #tpu.memory_space<vmem>>) semaphore(%arg12 : memref<!tpu.dma_semaphore, #tpu.memory_space<semaphore_mem>>)
    %scan3A = arith.constant 0 : i32
    %scan3A_73 = arith.constant 0 : i32
    %scan3A_74 = arith.constant 4 : i32
    %scan3A_75 = arith.addi %scan3A_73, %scan3A_74 : i32
    %scan3A_76 = arith.constant 1 : i32
    scf.for %scan3A_78 = %scan3A_73 to %scan3A_75 step %scan3A_76  : i32 {
      %mul3A_79 = arith.constant 7 : i32
      %mul3A_80 = arith.muli %scan3A_78, %mul3A_79 : i32
      %add3A_81 = arith.constant 0 : i32
      %add3A_82 = arith.addi %mul3A_80, %add3A_81 : i32
      %lt3A_83 = arith.cmpi slt, %add3A_82, %add3A_3 : i32
      %convert_element_type3A_84 = arith.extui %lt3A_83 : i1 to i32
      %cond3A_85 = arith.constant 0 : i32
      %cond3A_86 = arith.cmpi ne, %convert_element_type3A_84, %cond3A_85 : i32
      scf.if %cond3A_86 {
        %dma_wait3A = arith.constant 0 : i32
        %dma_wait3A_237 = arith.constant 0 : i32
        %dma_wait3A_238 = arith.constant 0 : i32
        %dma_wait3A_239 = tpu.memref_slice %arg6[%dma_wait3A, %dma_wait3A_237, %dma_wait3A_238] : memref<7x128x128xf32, #tpu.memory_space<vmem>> -> memref<1x128x128xf32, #tpu.memory_space<vmem>>
        %dma_wait3A_240 = tpu.memref_squeeze %dma_wait3A_239 : memref<1x128x128xf32, #tpu.memory_space<vmem>> -> memref<128x128xf32, #tpu.memory_space<vmem>>
        %dma_wait3A_241 = arith.constant 0 : i32
        %dma_wait3A_242 = tpu.memref_slice %arg5[%add3A_82, %dma_wait3A_241] : memref<25x128xi32, #tpu.memory_space<vmem>> -> memref<1x128xi32, #tpu.memory_space<vmem>>
        %dma_wait3A_243 = tpu.memref_squeeze %dma_wait3A_242 : memref<1x128xi32, #tpu.memory_space<vmem>> -> memref<128xi32, #tpu.memory_space<vmem>>
        %dma_wait3A_244 = arith.constant 0 : i32
        %dma_wait3A_245 = arith.constant 0 : i32
        %dma_wait3A_246 = tpu.memref_slice %arg7[%dma_wait3A_244, %dma_wait3A_245] : memref<119x128xf32, #tpu.memory_space<vmem_shared>> -> memref<119x128xf32, #tpu.memory_space<vmem_shared>>
        tpu.wait_indirect_dma semaphore(%arg9 : memref<!tpu.dma_semaphore, #tpu.memory_space<semaphore_mem>>) src(%dma_wait3A_246 : memref<119x128xf32, #tpu.memory_space<vmem_shared>>) dst(%dma_wait3A_240 : memref<128x128xf32, #tpu.memory_space<vmem>>)
        %mul3A_247 = arith.constant 32 : i32
        %mul3A_248 = arith.muli %add3A_82, %mul3A_247 : i32
        %add3A_249 = arith.addi %add3A, %mul3A_248 : i32
        %mul3A_250 = arith.constant 128 : i32
        %mul3A_251 = arith.muli %add3A_249, %mul3A_250 : i32
        %min3A = arith.constant 99872 : i32
        %min3A_252 = arith.minsi %mul3A_251, %min3A : i32
        %dma_start3A_253 = arith.constant 0 : i32
        %dma_start3A_254 = arith.constant 0 : i32
        %dma_start3A_255 = arith.constant 0 : i32
        %dma_start3A_256 = tpu.memref_slice %arg6[%dma_start3A_253, %dma_start3A_254, %dma_start3A_255] : memref<7x128x128xf32, #tpu.memory_space<vmem>> -> memref<1x128x128xf32, #tpu.memory_space<vmem>>
        %dma_start3A_257 = tpu.memref_squeeze %dma_start3A_256 : memref<1x128x128xf32, #tpu.memory_space<vmem>> -> memref<128x128xf32, #tpu.memory_space<vmem>>
        %dma_start3A_258 = arith.constant 0 : i32
        %dma_start3A_259 = tpu.memref_slice %arg4[%min3A_252, %dma_start3A_258] : memref<100000x128xf32, #tpu.memory_space<hbm>> -> memref<128x128xf32, #tpu.memory_space<hbm>>
        %dma_start3A_260 = arith.constant 0 : i32
        %dma_start3A_261 = tpu.memref_slice %arg4[%min3A_252, %dma_start3A_260] : memref<100000x128xf32, #tpu.memory_space<hbm>> -> memref<128x128xf32, #tpu.memory_space<hbm>>
        %dma_start3A_262 = arith.constant 0 : i32
        %dma_start3A_263 = arith.constant 0 : i32
        %dma_start3A_264 = tpu.memref_slice %arg6[%dma_start3A_253, %dma_start3A_262, %dma_start3A_263] : memref<7x128x128xf32, #tpu.memory_space<vmem>> -> memref<1x128x128xf32, #tpu.memory_space<vmem>>
        %dma_start3A_265 = tpu.memref_squeeze %dma_start3A_264 : memref<1x128x128xf32, #tpu.memory_space<vmem>> -> memref<128x128xf32, #tpu.memory_space<vmem>>
        tpu.enqueue_dma source(%dma_start3A_265 : memref<128x128xf32, #tpu.memory_space<vmem>>) target(%dma_start3A_261 : memref<128x128xf32, #tpu.memory_space<hbm>>) target_semaphore(%arg16 : memref<!tpu.dma_semaphore, #tpu.memory_space<semaphore_mem>>)
      } else {
      }
      %ge3A = arith.constant 3 : i32
      %ge3A_87 = arith.cmpi sge, %add3A_82, %ge3A : i32
      %sub3A = arith.constant 3 : i32
      %sub3A_88 = arith.subi %add3A_82, %sub3A : i32
      %lt3A_89 = arith.cmpi slt, %sub3A_88, %add3A_3 : i32
      %and3A = arith.andi %ge3A_87, %lt3A_89 : i1
      %convert_element_type3A_90 = arith.extui %and3A : i1 to i32
      %cond3A_91 = arith.constant 0 : i32
      %cond3A_92 = arith.cmpi ne, %convert_element_type3A_90, %cond3A_91 : i32
      scf.if %cond3A_92 {
        %sub3A_237 = arith.constant 3 : i32
        %sub3A_238 = arith.subi %add3A_82, %sub3A_237 : i32
        %mul3A_239 = arith.constant 32 : i32
        %mul3A_240 = arith.muli %sub3A_238, %mul3A_239 : i32
        %add3A_241 = arith.addi %add3A, %mul3A_240 : i32
        %mul3A_242 = arith.constant 128 : i32
        %mul3A_243 = arith.muli %add3A_241, %mul3A_242 : i32
        %min3A = arith.constant 99872 : i32
        %min3A_244 = arith.minsi %mul3A_243, %min3A : i32
        %dma_wait3A = arith.constant 4 : i32
        %dma_wait3A_245 = arith.constant 0 : i32
        %dma_wait3A_246 = arith.constant 0 : i32
        %dma_wait3A_247 = tpu.memref_slice %arg6[%dma_wait3A, %dma_wait3A_245, %dma_wait3A_246] : memref<7x128x128xf32, #tpu.memory_space<vmem>> -> memref<1x128x128xf32, #tpu.memory_space<vmem>>
        %dma_wait3A_248 = tpu.memref_squeeze %dma_wait3A_247 : memref<1x128x128xf32, #tpu.memory_space<vmem>> -> memref<128x128xf32, #tpu.memory_space<vmem>>
        %dma_wait3A_249 = arith.constant 0 : i32
        %dma_wait3A_250 = tpu.memref_slice %arg4[%min3A_244, %dma_wait3A_249] : memref<100000x128xf32, #tpu.memory_space<hbm>> -> memref<128x128xf32, #tpu.memory_space<hbm>>
        %dma_wait3A_251 = arith.constant 0 : i32
        %dma_wait3A_252 = tpu.memref_slice %arg4[%min3A_244, %dma_wait3A_251] : memref<100000x128xf32, #tpu.memory_space<hbm>> -> memref<128x128xf32, #tpu.memory_space<hbm>>
        %dma_wait3A_253 = arith.constant 0 : i32
        %dma_wait3A_254 = arith.constant 0 : i32
        %dma_wait3A_255 = tpu.memref_slice %arg6[%dma_wait3A, %dma_wait3A_253, %dma_wait3A_254] : memref<7x128x128xf32, #tpu.memory_space<vmem>> -> memref<1x128x128xf32, #tpu.memory_space<vmem>>
        %dma_wait3A_256 = tpu.memref_squeeze %dma_wait3A_255 : memref<1x128x128xf32, #tpu.memory_space<vmem>> -> memref<128x128xf32, #tpu.memory_space<vmem>>
        tpu.wait_dma2 semaphore(%arg20 : memref<!tpu.dma_semaphore, #tpu.memory_space<semaphore_mem>>) src(%dma_wait3A_256 : memref<128x128xf32, #tpu.memory_space<vmem>>) dst(%dma_wait3A_252 : memref<128x128xf32, #tpu.memory_space<hbm>>)
      } else {
      }
      %add3A_93 = arith.constant 4 : i32
      %add3A_94 = arith.addi %add3A_82, %add3A_93 : i32
      %lt3A_95 = arith.cmpi slt, %add3A_94, %add3A_3 : i32
      %convert_element_type3A_96 = arith.extui %lt3A_95 : i1 to i32
      %cond3A_97 = arith.constant 0 : i32
      %cond3A_98 = arith.cmpi ne, %convert_element_type3A_96, %cond3A_97 : i32
      scf.if %cond3A_98 {
        %add3A_237 = arith.constant 4 : i32
        %add3A_238 = arith.addi %add3A_82, %add3A_237 : i32
        %dma_start3A_239 = arith.constant 4 : i32
        %dma_start3A_240 = arith.constant 0 : i32
        %dma_start3A_241 = arith.constant 0 : i32
        %dma_start3A_242 = tpu.memref_slice %arg6[%dma_start3A_239, %dma_start3A_240, %dma_start3A_241] : memref<7x128x128xf32, #tpu.memory_space<vmem>> -> memref<1x128x128xf32, #tpu.memory_space<vmem>>
        %dma_start3A_243 = tpu.memref_squeeze %dma_start3A_242 : memref<1x128x128xf32, #tpu.memory_space<vmem>> -> memref<128x128xf32, #tpu.memory_space<vmem>>
        %dma_start3A_244 = arith.constant 0 : i32
        %dma_start3A_245 = tpu.memref_slice %arg5[%add3A_238, %dma_start3A_244] : memref<25x128xi32, #tpu.memory_space<vmem>> -> memref<1x128xi32, #tpu.memory_space<vmem>>
        %dma_start3A_246 = tpu.memref_squeeze %dma_start3A_245 : memref<1x128xi32, #tpu.memory_space<vmem>> -> memref<128xi32, #tpu.memory_space<vmem>>
        %dma_start3A_247 = arith.constant 0 : i32
        %dma_start3A_248 = arith.constant 0 : i32
        %dma_start3A_249 = tpu.memref_slice %arg7[%dma_start3A_247, %dma_start3A_248] : memref<119x128xf32, #tpu.memory_space<vmem_shared>> -> memref<119x128xf32, #tpu.memory_space<vmem_shared>>
        tpu.enqueue_indirect_dma source(%dma_start3A_249 : memref<119x128xf32, #tpu.memory_space<vmem_shared>>) target(%dma_start3A_243 : memref<128x128xf32, #tpu.memory_space<vmem>>) offsets(%dma_start3A_246 : memref<128xi32, #tpu.memory_space<vmem>>) semaphore(%arg13 : memref<!tpu.dma_semaphore, #tpu.memory_space<semaphore_mem>>)
      } else {
      }
      %mul3A_99 = arith.constant 7 : i32
      %mul3A_100 = arith.muli %scan3A_78, %mul3A_99 : i32
      %add3A_101 = arith.constant 1 : i32
      %add3A_102 = arith.addi %mul3A_100, %add3A_101 : i32
      %lt3A_103 = arith.cmpi slt, %add3A_102, %add3A_3 : i32
      %convert_element_type3A_104 = arith.extui %lt3A_103 : i1 to i32
      %cond3A_105 = arith.constant 0 : i32
      %cond3A_106 = arith.cmpi ne, %convert_element_type3A_104, %cond3A_105 : i32
      scf.if %cond3A_106 {
        %dma_wait3A = arith.constant 1 : i32
        %dma_wait3A_237 = arith.constant 0 : i32
        %dma_wait3A_238 = arith.constant 0 : i32
        %dma_wait3A_239 = tpu.memref_slice %arg6[%dma_wait3A, %dma_wait3A_237, %dma_wait3A_238] : memref<7x128x128xf32, #tpu.memory_space<vmem>> -> memref<1x128x128xf32, #tpu.memory_space<vmem>>
        %dma_wait3A_240 = tpu.memref_squeeze %dma_wait3A_239 : memref<1x128x128xf32, #tpu.memory_space<vmem>> -> memref<128x128xf32, #tpu.memory_space<vmem>>
        %dma_wait3A_241 = arith.constant 0 : i32
        %dma_wait3A_242 = tpu.memref_slice %arg5[%add3A_102, %dma_wait3A_241] : memref<25x128xi32, #tpu.memory_space<vmem>> -> memref<1x128xi32, #tpu.memory_space<vmem>>
        %dma_wait3A_243 = tpu.memref_squeeze %dma_wait3A_242 : memref<1x128xi32, #tpu.memory_space<vmem>> -> memref<128xi32, #tpu.memory_space<vmem>>
        %dma_wait3A_244 = arith.constant 0 : i32
        %dma_wait3A_245 = arith.constant 0 : i32
        %dma_wait3A_246 = tpu.memref_slice %arg7[%dma_wait3A_244, %dma_wait3A_245] : memref<119x128xf32, #tpu.memory_space<vmem_shared>> -> memref<119x128xf32, #tpu.memory_space<vmem_shared>>
        tpu.wait_indirect_dma semaphore(%arg10 : memref<!tpu.dma_semaphore, #tpu.memory_space<semaphore_mem>>) src(%dma_wait3A_246 : memref<119x128xf32, #tpu.memory_space<vmem_shared>>) dst(%dma_wait3A_240 : memref<128x128xf32, #tpu.memory_space<vmem>>)
        %mul3A_247 = arith.constant 32 : i32
        %mul3A_248 = arith.muli %add3A_102, %mul3A_247 : i32
        %add3A_249 = arith.addi %add3A, %mul3A_248 : i32
        %mul3A_250 = arith.constant 128 : i32
        %mul3A_251 = arith.muli %add3A_249, %mul3A_250 : i32
        %min3A = arith.constant 99872 : i32
        %min3A_252 = arith.minsi %mul3A_251, %min3A : i32
        %dma_start3A_253 = arith.constant 1 : i32
        %dma_start3A_254 = arith.constant 0 : i32
        %dma_start3A_255 = arith.constant 0 : i32
        %dma_start3A_256 = tpu.memref_slice %arg6[%dma_start3A_253, %dma_start3A_254, %dma_start3A_255] : memref<7x128x128xf32, #tpu.memory_space<vmem>> -> memref<1x128x128xf32, #tpu.memory_space<vmem>>
        %dma_start3A_257 = tpu.memref_squeeze %dma_start3A_256 : memref<1x128x128xf32, #tpu.memory_space<vmem>> -> memref<128x128xf32, #tpu.memory_space<vmem>>
        %dma_start3A_258 = arith.constant 0 : i32
        %dma_start3A_259 = tpu.memref_slice %arg4[%min3A_252, %dma_start3A_258] : memref<100000x128xf32, #tpu.memory_space<hbm>> -> memref<128x128xf32, #tpu.memory_space<hbm>>
        %dma_start3A_260 = arith.constant 0 : i32
        %dma_start3A_261 = tpu.memref_slice %arg4[%min3A_252, %dma_start3A_260] : memref<100000x128xf32, #tpu.memory_space<hbm>> -> memref<128x128xf32, #tpu.memory_space<hbm>>
        %dma_start3A_262 = arith.constant 0 : i32
        %dma_start3A_263 = arith.constant 0 : i32
        %dma_start3A_264 = tpu.memref_slice %arg6[%dma_start3A_253, %dma_start3A_262, %dma_start3A_263] : memref<7x128x128xf32, #tpu.memory_space<vmem>> -> memref<1x128x128xf32, #tpu.memory_space<vmem>>
        %dma_start3A_265 = tpu.memref_squeeze %dma_start3A_264 : memref<1x128x128xf32, #tpu.memory_space<vmem>> -> memref<128x128xf32, #tpu.memory_space<vmem>>
        tpu.enqueue_dma source(%dma_start3A_265 : memref<128x128xf32, #tpu.memory_space<vmem>>) target(%dma_start3A_261 : memref<128x128xf32, #tpu.memory_space<hbm>>) target_semaphore(%arg17 : memref<!tpu.dma_semaphore, #tpu.memory_space<semaphore_mem>>)
      } else {
      }
      %ge3A_107 = arith.constant 3 : i32
      %ge3A_108 = arith.cmpi sge, %add3A_102, %ge3A_107 : i32
      %sub3A_109 = arith.constant 3 : i32
      %sub3A_110 = arith.subi %add3A_102, %sub3A_109 : i32
      %lt3A_111 = arith.cmpi slt, %sub3A_110, %add3A_3 : i32
      %and3A_112 = arith.andi %ge3A_108, %lt3A_111 : i1
      %convert_element_type3A_113 = arith.extui %and3A_112 : i1 to i32
      %cond3A_114 = arith.constant 0 : i32
      %cond3A_115 = arith.cmpi ne, %convert_element_type3A_113, %cond3A_114 : i32
      scf.if %cond3A_115 {
        %sub3A_237 = arith.constant 3 : i32
        %sub3A_238 = arith.subi %add3A_102, %sub3A_237 : i32
        %mul3A_239 = arith.constant 32 : i32
        %mul3A_240 = arith.muli %sub3A_238, %mul3A_239 : i32
        %add3A_241 = arith.addi %add3A, %mul3A_240 : i32
        %mul3A_242 = arith.constant 128 : i32
        %mul3A_243 = arith.muli %add3A_241, %mul3A_242 : i32
        %min3A = arith.constant 99872 : i32
        %min3A_244 = arith.minsi %mul3A_243, %min3A : i32
        %dma_wait3A = arith.constant 5 : i32
        %dma_wait3A_245 = arith.constant 0 : i32
        %dma_wait3A_246 = arith.constant 0 : i32
        %dma_wait3A_247 = tpu.memref_slice %arg6[%dma_wait3A, %dma_wait3A_245, %dma_wait3A_246] : memref<7x128x128xf32, #tpu.memory_space<vmem>> -> memref<1x128x128xf32, #tpu.memory_space<vmem>>
        %dma_wait3A_248 = tpu.memref_squeeze %dma_wait3A_247 : memref<1x128x128xf32, #tpu.memory_space<vmem>> -> memref<128x128xf32, #tpu.memory_space<vmem>>
        %dma_wait3A_249 = arith.constant 0 : i32
        %dma_wait3A_250 = tpu.memref_slice %arg4[%min3A_244, %dma_wait3A_249] : memref<100000x128xf32, #tpu.memory_space<hbm>> -> memref<128x128xf32, #tpu.memory_space<hbm>>
        %dma_wait3A_251 = arith.constant 0 : i32
        %dma_wait3A_252 = tpu.memref_slice %arg4[%min3A_244, %dma_wait3A_251] : memref<100000x128xf32, #tpu.memory_space<hbm>> -> memref<128x128xf32, #tpu.memory_space<hbm>>
        %dma_wait3A_253 = arith.constant 0 : i32
        %dma_wait3A_254 = arith.constant 0 : i32
        %dma_wait3A_255 = tpu.memref_slice %arg6[%dma_wait3A, %dma_wait3A_253, %dma_wait3A_254] : memref<7x128x128xf32, #tpu.memory_space<vmem>> -> memref<1x128x128xf32, #tpu.memory_space<vmem>>
        %dma_wait3A_256 = tpu.memref_squeeze %dma_wait3A_255 : memref<1x128x128xf32, #tpu.memory_space<vmem>> -> memref<128x128xf32, #tpu.memory_space<vmem>>
        tpu.wait_dma2 semaphore(%arg21 : memref<!tpu.dma_semaphore, #tpu.memory_space<semaphore_mem>>) src(%dma_wait3A_256 : memref<128x128xf32, #tpu.memory_space<vmem>>) dst(%dma_wait3A_252 : memref<128x128xf32, #tpu.memory_space<hbm>>)
      } else {
      }
      %add3A_116 = arith.constant 4 : i32
      %add3A_117 = arith.addi %add3A_102, %add3A_116 : i32
      %lt3A_118 = arith.cmpi slt, %add3A_117, %add3A_3 : i32
      %convert_element_type3A_119 = arith.extui %lt3A_118 : i1 to i32
      %cond3A_120 = arith.constant 0 : i32
      %cond3A_121 = arith.cmpi ne, %convert_element_type3A_119, %cond3A_120 : i32
      scf.if %cond3A_121 {
        %add3A_237 = arith.constant 4 : i32
        %add3A_238 = arith.addi %add3A_102, %add3A_237 : i32
        %dma_start3A_239 = arith.constant 5 : i32
        %dma_start3A_240 = arith.constant 0 : i32
        %dma_start3A_241 = arith.constant 0 : i32
        %dma_start3A_242 = tpu.memref_slice %arg6[%dma_start3A_239, %dma_start3A_240, %dma_start3A_241] : memref<7x128x128xf32, #tpu.memory_space<vmem>> -> memref<1x128x128xf32, #tpu.memory_space<vmem>>
        %dma_start3A_243 = tpu.memref_squeeze %dma_start3A_242 : memref<1x128x128xf32, #tpu.memory_space<vmem>> -> memref<128x128xf32, #tpu.memory_space<vmem>>
        %dma_start3A_244 = arith.constant 0 : i32
        %dma_start3A_245 = tpu.memref_slice %arg5[%add3A_238, %dma_start3A_244] : memref<25x128xi32, #tpu.memory_space<vmem>> -> memref<1x128xi32, #tpu.memory_space<vmem>>
        %dma_start3A_246 = tpu.memref_squeeze %dma_start3A_245 : memref<1x128xi32, #tpu.memory_space<vmem>> -> memref<128xi32, #tpu.memory_space<vmem>>
        %dma_start3A_247 = arith.constant 0 : i32
        %dma_start3A_248 = arith.constant 0 : i32
        %dma_start3A_249 = tpu.memref_slice %arg7[%dma_start3A_247, %dma_start3A_248] : memref<119x128xf32, #tpu.memory_space<vmem_shared>> -> memref<119x128xf32, #tpu.memory_space<vmem_shared>>
        tpu.enqueue_indirect_dma source(%dma_start3A_249 : memref<119x128xf32, #tpu.memory_space<vmem_shared>>) target(%dma_start3A_243 : memref<128x128xf32, #tpu.memory_space<vmem>>) offsets(%dma_start3A_246 : memref<128xi32, #tpu.memory_space<vmem>>) semaphore(%arg14 : memref<!tpu.dma_semaphore, #tpu.memory_space<semaphore_mem>>)
      } else {
      }
      %mul3A_122 = arith.constant 7 : i32
      %mul3A_123 = arith.muli %scan3A_78, %mul3A_122 : i32
      %add3A_124 = arith.constant 2 : i32
      %add3A_125 = arith.addi %mul3A_123, %add3A_124 : i32
      %lt3A_126 = arith.cmpi slt, %add3A_125, %add3A_3 : i32
      %convert_element_type3A_127 = arith.extui %lt3A_126 : i1 to i32
      %cond3A_128 = arith.constant 0 : i32
      %cond3A_129 = arith.cmpi ne, %convert_element_type3A_127, %cond3A_128 : i32
      scf.if %cond3A_129 {
        %dma_wait3A = arith.constant 2 : i32
        %dma_wait3A_237 = arith.constant 0 : i32
        %dma_wait3A_238 = arith.constant 0 : i32
        %dma_wait3A_239 = tpu.memref_slice %arg6[%dma_wait3A, %dma_wait3A_237, %dma_wait3A_238] : memref<7x128x128xf32, #tpu.memory_space<vmem>> -> memref<1x128x128xf32, #tpu.memory_space<vmem>>
        %dma_wait3A_240 = tpu.memref_squeeze %dma_wait3A_239 : memref<1x128x128xf32, #tpu.memory_space<vmem>> -> memref<128x128xf32, #tpu.memory_space<vmem>>
        %dma_wait3A_241 = arith.constant 0 : i32
        %dma_wait3A_242 = tpu.memref_slice %arg5[%add3A_125, %dma_wait3A_241] : memref<25x128xi32, #tpu.memory_space<vmem>> -> memref<1x128xi32, #tpu.memory_space<vmem>>
        %dma_wait3A_243 = tpu.memref_squeeze %dma_wait3A_242 : memref<1x128xi32, #tpu.memory_space<vmem>> -> memref<128xi32, #tpu.memory_space<vmem>>
        %dma_wait3A_244 = arith.constant 0 : i32
        %dma_wait3A_245 = arith.constant 0 : i32
        %dma_wait3A_246 = tpu.memref_slice %arg7[%dma_wait3A_244, %dma_wait3A_245] : memref<119x128xf32, #tpu.memory_space<vmem_shared>> -> memref<119x128xf32, #tpu.memory_space<vmem_shared>>
        tpu.wait_indirect_dma semaphore(%arg11 : memref<!tpu.dma_semaphore, #tpu.memory_space<semaphore_mem>>) src(%dma_wait3A_246 : memref<119x128xf32, #tpu.memory_space<vmem_shared>>) dst(%dma_wait3A_240 : memref<128x128xf32, #tpu.memory_space<vmem>>)
        %mul3A_247 = arith.constant 32 : i32
        %mul3A_248 = arith.muli %add3A_125, %mul3A_247 : i32
        %add3A_249 = arith.addi %add3A, %mul3A_248 : i32
        %mul3A_250 = arith.constant 128 : i32
        %mul3A_251 = arith.muli %add3A_249, %mul3A_250 : i32
        %min3A = arith.constant 99872 : i32
        %min3A_252 = arith.minsi %mul3A_251, %min3A : i32
        %dma_start3A_253 = arith.constant 2 : i32
        %dma_start3A_254 = arith.constant 0 : i32
        %dma_start3A_255 = arith.constant 0 : i32
        %dma_start3A_256 = tpu.memref_slice %arg6[%dma_start3A_253, %dma_start3A_254, %dma_start3A_255] : memref<7x128x128xf32, #tpu.memory_space<vmem>> -> memref<1x128x128xf32, #tpu.memory_space<vmem>>
        %dma_start3A_257 = tpu.memref_squeeze %dma_start3A_256 : memref<1x128x128xf32, #tpu.memory_space<vmem>> -> memref<128x128xf32, #tpu.memory_space<vmem>>
        %dma_start3A_258 = arith.constant 0 : i32
        %dma_start3A_259 = tpu.memref_slice %arg4[%min3A_252, %dma_start3A_258] : memref<100000x128xf32, #tpu.memory_space<hbm>> -> memref<128x128xf32, #tpu.memory_space<hbm>>
        %dma_start3A_260 = arith.constant 0 : i32
        %dma_start3A_261 = tpu.memref_slice %arg4[%min3A_252, %dma_start3A_260] : memref<100000x128xf32, #tpu.memory_space<hbm>> -> memref<128x128xf32, #tpu.memory_space<hbm>>
        %dma_start3A_262 = arith.constant 0 : i32
        %dma_start3A_263 = arith.constant 0 : i32
        %dma_start3A_264 = tpu.memref_slice %arg6[%dma_start3A_253, %dma_start3A_262, %dma_start3A_263] : memref<7x128x128xf32, #tpu.memory_space<vmem>> -> memref<1x128x128xf32, #tpu.memory_space<vmem>>
        %dma_start3A_265 = tpu.memref_squeeze %dma_start3A_264 : memref<1x128x128xf32, #tpu.memory_space<vmem>> -> memref<128x128xf32, #tpu.memory_space<vmem>>
        tpu.enqueue_dma source(%dma_start3A_265 : memref<128x128xf32, #tpu.memory_space<vmem>>) target(%dma_start3A_261 : memref<128x128xf32, #tpu.memory_space<hbm>>) target_semaphore(%arg18 : memref<!tpu.dma_semaphore, #tpu.memory_space<semaphore_mem>>)
      } else {
      }
      %ge3A_130 = arith.constant 3 : i32
      %ge3A_131 = arith.cmpi sge, %add3A_125, %ge3A_130 : i32
      %sub3A_132 = arith.constant 3 : i32
      %sub3A_133 = arith.subi %add3A_125, %sub3A_132 : i32
      %lt3A_134 = arith.cmpi slt, %sub3A_133, %add3A_3 : i32
      %and3A_135 = arith.andi %ge3A_131, %lt3A_134 : i1
      %convert_element_type3A_136 = arith.extui %and3A_135 : i1 to i32
      %cond3A_137 = arith.constant 0 : i32
      %cond3A_138 = arith.cmpi ne, %convert_element_type3A_136, %cond3A_137 : i32
      scf.if %cond3A_138 {
        %sub3A_237 = arith.constant 3 : i32
        %sub3A_238 = arith.subi %add3A_125, %sub3A_237 : i32
        %mul3A_239 = arith.constant 32 : i32
        %mul3A_240 = arith.muli %sub3A_238, %mul3A_239 : i32
        %add3A_241 = arith.addi %add3A, %mul3A_240 : i32
        %mul3A_242 = arith.constant 128 : i32
        %mul3A_243 = arith.muli %add3A_241, %mul3A_242 : i32
        %min3A = arith.constant 99872 : i32
        %min3A_244 = arith.minsi %mul3A_243, %min3A : i32
        %dma_wait3A = arith.constant 6 : i32
        %dma_wait3A_245 = arith.constant 0 : i32
        %dma_wait3A_246 = arith.constant 0 : i32
        %dma_wait3A_247 = tpu.memref_slice %arg6[%dma_wait3A, %dma_wait3A_245, %dma_wait3A_246] : memref<7x128x128xf32, #tpu.memory_space<vmem>> -> memref<1x128x128xf32, #tpu.memory_space<vmem>>
        %dma_wait3A_248 = tpu.memref_squeeze %dma_wait3A_247 : memref<1x128x128xf32, #tpu.memory_space<vmem>> -> memref<128x128xf32, #tpu.memory_space<vmem>>
        %dma_wait3A_249 = arith.constant 0 : i32
        %dma_wait3A_250 = tpu.memref_slice %arg4[%min3A_244, %dma_wait3A_249] : memref<100000x128xf32, #tpu.memory_space<hbm>> -> memref<128x128xf32, #tpu.memory_space<hbm>>
        %dma_wait3A_251 = arith.constant 0 : i32
        %dma_wait3A_252 = tpu.memref_slice %arg4[%min3A_244, %dma_wait3A_251] : memref<100000x128xf32, #tpu.memory_space<hbm>> -> memref<128x128xf32, #tpu.memory_space<hbm>>
        %dma_wait3A_253 = arith.constant 0 : i32
        %dma_wait3A_254 = arith.constant 0 : i32
        %dma_wait3A_255 = tpu.memref_slice %arg6[%dma_wait3A, %dma_wait3A_253, %dma_wait3A_254] : memref<7x128x128xf32, #tpu.memory_space<vmem>> -> memref<1x128x128xf32, #tpu.memory_space<vmem>>
        %dma_wait3A_256 = tpu.memref_squeeze %dma_wait3A_255 : memref<1x128x128xf32, #tpu.memory_space<vmem>> -> memref<128x128xf32, #tpu.memory_space<vmem>>
        tpu.wait_dma2 semaphore(%arg22 : memref<!tpu.dma_semaphore, #tpu.memory_space<semaphore_mem>>) src(%dma_wait3A_256 : memref<128x128xf32, #tpu.memory_space<vmem>>) dst(%dma_wait3A_252 : memref<128x128xf32, #tpu.memory_space<hbm>>)
      } else {
      }
      %add3A_139 = arith.constant 4 : i32
      %add3A_140 = arith.addi %add3A_125, %add3A_139 : i32
      %lt3A_141 = arith.cmpi slt, %add3A_140, %add3A_3 : i32
      %convert_element_type3A_142 = arith.extui %lt3A_141 : i1 to i32
      %cond3A_143 = arith.constant 0 : i32
      %cond3A_144 = arith.cmpi ne, %convert_element_type3A_142, %cond3A_143 : i32
      scf.if %cond3A_144 {
        %add3A_237 = arith.constant 4 : i32
        %add3A_238 = arith.addi %add3A_125, %add3A_237 : i32
        %dma_start3A_239 = arith.constant 6 : i32
        %dma_start3A_240 = arith.constant 0 : i32
        %dma_start3A_241 = arith.constant 0 : i32
        %dma_start3A_242 = tpu.memref_slice %arg6[%dma_start3A_239, %dma_start3A_240, %dma_start3A_241] : memref<7x128x128xf32, #tpu.memory_space<vmem>> -> memref<1x128x128xf32, #tpu.memory_space<vmem>>
        %dma_start3A_243 = tpu.memref_squeeze %dma_start3A_242 : memref<1x128x128xf32, #tpu.memory_space<vmem>> -> memref<128x128xf32, #tpu.memory_space<vmem>>
        %dma_start3A_244 = arith.constant 0 : i32
        %dma_start3A_245 = tpu.memref_slice %arg5[%add3A_238, %dma_start3A_244] : memref<25x128xi32, #tpu.memory_space<vmem>> -> memref<1x128xi32, #tpu.memory_space<vmem>>
        %dma_start3A_246 = tpu.memref_squeeze %dma_start3A_245 : memref<1x128xi32, #tpu.memory_space<vmem>> -> memref<128xi32, #tpu.memory_space<vmem>>
        %dma_start3A_247 = arith.constant 0 : i32
        %dma_start3A_248 = arith.constant 0 : i32
        %dma_start3A_249 = tpu.memref_slice %arg7[%dma_start3A_247, %dma_start3A_248] : memref<119x128xf32, #tpu.memory_space<vmem_shared>> -> memref<119x128xf32, #tpu.memory_space<vmem_shared>>
        tpu.enqueue_indirect_dma source(%dma_start3A_249 : memref<119x128xf32, #tpu.memory_space<vmem_shared>>) target(%dma_start3A_243 : memref<128x128xf32, #tpu.memory_space<vmem>>) offsets(%dma_start3A_246 : memref<128xi32, #tpu.memory_space<vmem>>) semaphore(%arg15 : memref<!tpu.dma_semaphore, #tpu.memory_space<semaphore_mem>>)
      } else {
      }
      %mul3A_145 = arith.constant 7 : i32
      %mul3A_146 = arith.muli %scan3A_78, %mul3A_145 : i32
      %add3A_147 = arith.constant 3 : i32
      %add3A_148 = arith.addi %mul3A_146, %add3A_147 : i32
      %lt3A_149 = arith.cmpi slt, %add3A_148, %add3A_3 : i32
      %convert_element_type3A_150 = arith.extui %lt3A_149 : i1 to i32
      %cond3A_151 = arith.constant 0 : i32
      %cond3A_152 = arith.cmpi ne, %convert_element_type3A_150, %cond3A_151 : i32
      scf.if %cond3A_152 {
        %dma_wait3A = arith.constant 3 : i32
        %dma_wait3A_237 = arith.constant 0 : i32
        %dma_wait3A_238 = arith.constant 0 : i32
        %dma_wait3A_239 = tpu.memref_slice %arg6[%dma_wait3A, %dma_wait3A_237, %dma_wait3A_238] : memref<7x128x128xf32, #tpu.memory_space<vmem>> -> memref<1x128x128xf32, #tpu.memory_space<vmem>>
        %dma_wait3A_240 = tpu.memref_squeeze %dma_wait3A_239 : memref<1x128x128xf32, #tpu.memory_space<vmem>> -> memref<128x128xf32, #tpu.memory_space<vmem>>
        %dma_wait3A_241 = arith.constant 0 : i32
        %dma_wait3A_242 = tpu.memref_slice %arg5[%add3A_148, %dma_wait3A_241] : memref<25x128xi32, #tpu.memory_space<vmem>> -> memref<1x128xi32, #tpu.memory_space<vmem>>
        %dma_wait3A_243 = tpu.memref_squeeze %dma_wait3A_242 : memref<1x128xi32, #tpu.memory_space<vmem>> -> memref<128xi32, #tpu.memory_space<vmem>>
        %dma_wait3A_244 = arith.constant 0 : i32
        %dma_wait3A_245 = arith.constant 0 : i32
        %dma_wait3A_246 = tpu.memref_slice %arg7[%dma_wait3A_244, %dma_wait3A_245] : memref<119x128xf32, #tpu.memory_space<vmem_shared>> -> memref<119x128xf32, #tpu.memory_space<vmem_shared>>
        tpu.wait_indirect_dma semaphore(%arg12 : memref<!tpu.dma_semaphore, #tpu.memory_space<semaphore_mem>>) src(%dma_wait3A_246 : memref<119x128xf32, #tpu.memory_space<vmem_shared>>) dst(%dma_wait3A_240 : memref<128x128xf32, #tpu.memory_space<vmem>>)
        %mul3A_247 = arith.constant 32 : i32
        %mul3A_248 = arith.muli %add3A_148, %mul3A_247 : i32
        %add3A_249 = arith.addi %add3A, %mul3A_248 : i32
        %mul3A_250 = arith.constant 128 : i32
        %mul3A_251 = arith.muli %add3A_249, %mul3A_250 : i32
        %min3A = arith.constant 99872 : i32
        %min3A_252 = arith.minsi %mul3A_251, %min3A : i32
        %dma_start3A_253 = arith.constant 3 : i32
        %dma_start3A_254 = arith.constant 0 : i32
        %dma_start3A_255 = arith.constant 0 : i32
        %dma_start3A_256 = tpu.memref_slice %arg6[%dma_start3A_253, %dma_start3A_254, %dma_start3A_255] : memref<7x128x128xf32, #tpu.memory_space<vmem>> -> memref<1x128x128xf32, #tpu.memory_space<vmem>>
        %dma_start3A_257 = tpu.memref_squeeze %dma_start3A_256 : memref<1x128x128xf32, #tpu.memory_space<vmem>> -> memref<128x128xf32, #tpu.memory_space<vmem>>
        %dma_start3A_258 = arith.constant 0 : i32
        %dma_start3A_259 = tpu.memref_slice %arg4[%min3A_252, %dma_start3A_258] : memref<100000x128xf32, #tpu.memory_space<hbm>> -> memref<128x128xf32, #tpu.memory_space<hbm>>
        %dma_start3A_260 = arith.constant 0 : i32
        %dma_start3A_261 = tpu.memref_slice %arg4[%min3A_252, %dma_start3A_260] : memref<100000x128xf32, #tpu.memory_space<hbm>> -> memref<128x128xf32, #tpu.memory_space<hbm>>
        %dma_start3A_262 = arith.constant 0 : i32
        %dma_start3A_263 = arith.constant 0 : i32
        %dma_start3A_264 = tpu.memref_slice %arg6[%dma_start3A_253, %dma_start3A_262, %dma_start3A_263] : memref<7x128x128xf32, #tpu.memory_space<vmem>> -> memref<1x128x128xf32, #tpu.memory_space<vmem>>
        %dma_start3A_265 = tpu.memref_squeeze %dma_start3A_264 : memref<1x128x128xf32, #tpu.memory_space<vmem>> -> memref<128x128xf32, #tpu.memory_space<vmem>>
        tpu.enqueue_dma source(%dma_start3A_265 : memref<128x128xf32, #tpu.memory_space<vmem>>) target(%dma_start3A_261 : memref<128x128xf32, #tpu.memory_space<hbm>>) target_semaphore(%arg19 : memref<!tpu.dma_semaphore, #tpu.memory_space<semaphore_mem>>)
      } else {
      }
      %ge3A_153 = arith.constant 3 : i32
      %ge3A_154 = arith.cmpi sge, %add3A_148, %ge3A_153 : i32
      %sub3A_155 = arith.constant 3 : i32
      %sub3A_156 = arith.subi %add3A_148, %sub3A_155 : i32
      %lt3A_157 = arith.cmpi slt, %sub3A_156, %add3A_3 : i32
      %and3A_158 = arith.andi %ge3A_154, %lt3A_157 : i1
      %convert_element_type3A_159 = arith.extui %and3A_158 : i1 to i32
      %cond3A_160 = arith.constant 0 : i32
      %cond3A_161 = arith.cmpi ne, %convert_element_type3A_159, %cond3A_160 : i32
      scf.if %cond3A_161 {
        %sub3A_237 = arith.constant 3 : i32
        %sub3A_238 = arith.subi %add3A_148, %sub3A_237 : i32
        %mul3A_239 = arith.constant 32 : i32
        %mul3A_240 = arith.muli %sub3A_238, %mul3A_239 : i32
        %add3A_241 = arith.addi %add3A, %mul3A_240 : i32
        %mul3A_242 = arith.constant 128 : i32
        %mul3A_243 = arith.muli %add3A_241, %mul3A_242 : i32
        %min3A = arith.constant 99872 : i32
        %min3A_244 = arith.minsi %mul3A_243, %min3A : i32
        %dma_wait3A = arith.constant 0 : i32
        %dma_wait3A_245 = arith.constant 0 : i32
        %dma_wait3A_246 = arith.constant 0 : i32
        %dma_wait3A_247 = tpu.memref_slice %arg6[%dma_wait3A, %dma_wait3A_245, %dma_wait3A_246] : memref<7x128x128xf32, #tpu.memory_space<vmem>> -> memref<1x128x128xf32, #tpu.memory_space<vmem>>
        %dma_wait3A_248 = tpu.memref_squeeze %dma_wait3A_247 : memref<1x128x128xf32, #tpu.memory_space<vmem>> -> memref<128x128xf32, #tpu.memory_space<vmem>>
        %dma_wait3A_249 = arith.constant 0 : i32
        %dma_wait3A_250 = tpu.memref_slice %arg4[%min3A_244, %dma_wait3A_249] : memref<100000x128xf32, #tpu.memory_space<hbm>> -> memref<128x128xf32, #tpu.memory_space<hbm>>
        %dma_wait3A_251 = arith.constant 0 : i32
        %dma_wait3A_252 = tpu.memref_slice %arg4[%min3A_244, %dma_wait3A_251] : memref<100000x128xf32, #tpu.memory_space<hbm>> -> memref<128x128xf32, #tpu.memory_space<hbm>>
        %dma_wait3A_253 = arith.constant 0 : i32
        %dma_wait3A_254 = arith.constant 0 : i32
        %dma_wait3A_255 = tpu.memref_slice %arg6[%dma_wait3A, %dma_wait3A_253, %dma_wait3A_254] : memref<7x128x128xf32, #tpu.memory_space<vmem>> -> memref<1x128x128xf32, #tpu.memory_space<vmem>>
        %dma_wait3A_256 = tpu.memref_squeeze %dma_wait3A_255 : memref<1x128x128xf32, #tpu.memory_space<vmem>> -> memref<128x128xf32, #tpu.memory_space<vmem>>
        tpu.wait_dma2 semaphore(%arg16 : memref<!tpu.dma_semaphore, #tpu.memory_space<semaphore_mem>>) src(%dma_wait3A_256 : memref<128x128xf32, #tpu.memory_space<vmem>>) dst(%dma_wait3A_252 : memref<128x128xf32, #tpu.memory_space<hbm>>)
      } else {
      }
      %add3A_162 = arith.constant 4 : i32
      %add3A_163 = arith.addi %add3A_148, %add3A_162 : i32
      %lt3A_164 = arith.cmpi slt, %add3A_163, %add3A_3 : i32
      %convert_element_type3A_165 = arith.extui %lt3A_164 : i1 to i32
      %cond3A_166 = arith.constant 0 : i32
      %cond3A_167 = arith.cmpi ne, %convert_element_type3A_165, %cond3A_166 : i32
      scf.if %cond3A_167 {
        %add3A_237 = arith.constant 4 : i32
        %add3A_238 = arith.addi %add3A_148, %add3A_237 : i32
        %dma_start3A_239 = arith.constant 0 : i32
        %dma_start3A_240 = arith.constant 0 : i32
        %dma_start3A_241 = arith.constant 0 : i32
        %dma_start3A_242 = tpu.memref_slice %arg6[%dma_start3A_239, %dma_start3A_240, %dma_start3A_241] : memref<7x128x128xf32, #tpu.memory_space<vmem>> -> memref<1x128x128xf32, #tpu.memory_space<vmem>>
        %dma_start3A_243 = tpu.memref_squeeze %dma_start3A_242 : memref<1x128x128xf32, #tpu.memory_space<vmem>> -> memref<128x128xf32, #tpu.memory_space<vmem>>
        %dma_start3A_244 = arith.constant 0 : i32
        %dma_start3A_245 = tpu.memref_slice %arg5[%add3A_238, %dma_start3A_244] : memref<25x128xi32, #tpu.memory_space<vmem>> -> memref<1x128xi32, #tpu.memory_space<vmem>>
        %dma_start3A_246 = tpu.memref_squeeze %dma_start3A_245 : memref<1x128xi32, #tpu.memory_space<vmem>> -> memref<128xi32, #tpu.memory_space<vmem>>
        %dma_start3A_247 = arith.constant 0 : i32
        %dma_start3A_248 = arith.constant 0 : i32
        %dma_start3A_249 = tpu.memref_slice %arg7[%dma_start3A_247, %dma_start3A_248] : memref<119x128xf32, #tpu.memory_space<vmem_shared>> -> memref<119x128xf32, #tpu.memory_space<vmem_shared>>
        tpu.enqueue_indirect_dma source(%dma_start3A_249 : memref<119x128xf32, #tpu.memory_space<vmem_shared>>) target(%dma_start3A_243 : memref<128x128xf32, #tpu.memory_space<vmem>>) offsets(%dma_start3A_246 : memref<128xi32, #tpu.memory_space<vmem>>) semaphore(%arg9 : memref<!tpu.dma_semaphore, #tpu.memory_space<semaphore_mem>>)
      } else {
      }
      %mul3A_168 = arith.constant 7 : i32
      %mul3A_169 = arith.muli %scan3A_78, %mul3A_168 : i32
      %add3A_170 = arith.constant 4 : i32
      %add3A_171 = arith.addi %mul3A_169, %add3A_170 : i32
      %lt3A_172 = arith.cmpi slt, %add3A_171, %add3A_3 : i32
      %convert_element_type3A_173 = arith.extui %lt3A_172 : i1 to i32
      %cond3A_174 = arith.constant 0 : i32
      %cond3A_175 = arith.cmpi ne, %convert_element_type3A_173, %cond3A_174 : i32
      scf.if %cond3A_175 {
        %dma_wait3A = arith.constant 4 : i32
        %dma_wait3A_237 = arith.constant 0 : i32
        %dma_wait3A_238 = arith.constant 0 : i32
        %dma_wait3A_239 = tpu.memref_slice %arg6[%dma_wait3A, %dma_wait3A_237, %dma_wait3A_238] : memref<7x128x128xf32, #tpu.memory_space<vmem>> -> memref<1x128x128xf32, #tpu.memory_space<vmem>>
        %dma_wait3A_240 = tpu.memref_squeeze %dma_wait3A_239 : memref<1x128x128xf32, #tpu.memory_space<vmem>> -> memref<128x128xf32, #tpu.memory_space<vmem>>
        %dma_wait3A_241 = arith.constant 0 : i32
        %dma_wait3A_242 = tpu.memref_slice %arg5[%add3A_171, %dma_wait3A_241] : memref<25x128xi32, #tpu.memory_space<vmem>> -> memref<1x128xi32, #tpu.memory_space<vmem>>
        %dma_wait3A_243 = tpu.memref_squeeze %dma_wait3A_242 : memref<1x128xi32, #tpu.memory_space<vmem>> -> memref<128xi32, #tpu.memory_space<vmem>>
        %dma_wait3A_244 = arith.constant 0 : i32
        %dma_wait3A_245 = arith.constant 0 : i32
        %dma_wait3A_246 = tpu.memref_slice %arg7[%dma_wait3A_244, %dma_wait3A_245] : memref<119x128xf32, #tpu.memory_space<vmem_shared>> -> memref<119x128xf32, #tpu.memory_space<vmem_shared>>
        tpu.wait_indirect_dma semaphore(%arg13 : memref<!tpu.dma_semaphore, #tpu.memory_space<semaphore_mem>>) src(%dma_wait3A_246 : memref<119x128xf32, #tpu.memory_space<vmem_shared>>) dst(%dma_wait3A_240 : memref<128x128xf32, #tpu.memory_space<vmem>>)
        %mul3A_247 = arith.constant 32 : i32
        %mul3A_248 = arith.muli %add3A_171, %mul3A_247 : i32
        %add3A_249 = arith.addi %add3A, %mul3A_248 : i32
        %mul3A_250 = arith.constant 128 : i32
        %mul3A_251 = arith.muli %add3A_249, %mul3A_250 : i32
        %min3A = arith.constant 99872 : i32
        %min3A_252 = arith.minsi %mul3A_251, %min3A : i32
        %dma_start3A_253 = arith.constant 4 : i32
        %dma_start3A_254 = arith.constant 0 : i32
        %dma_start3A_255 = arith.constant 0 : i32
        %dma_start3A_256 = tpu.memref_slice %arg6[%dma_start3A_253, %dma_start3A_254, %dma_start3A_255] : memref<7x128x128xf32, #tpu.memory_space<vmem>> -> memref<1x128x128xf32, #tpu.memory_space<vmem>>
        %dma_start3A_257 = tpu.memref_squeeze %dma_start3A_256 : memref<1x128x128xf32, #tpu.memory_space<vmem>> -> memref<128x128xf32, #tpu.memory_space<vmem>>
        %dma_start3A_258 = arith.constant 0 : i32
        %dma_start3A_259 = tpu.memref_slice %arg4[%min3A_252, %dma_start3A_258] : memref<100000x128xf32, #tpu.memory_space<hbm>> -> memref<128x128xf32, #tpu.memory_space<hbm>>
        %dma_start3A_260 = arith.constant 0 : i32
        %dma_start3A_261 = tpu.memref_slice %arg4[%min3A_252, %dma_start3A_260] : memref<100000x128xf32, #tpu.memory_space<hbm>> -> memref<128x128xf32, #tpu.memory_space<hbm>>
        %dma_start3A_262 = arith.constant 0 : i32
        %dma_start3A_263 = arith.constant 0 : i32
        %dma_start3A_264 = tpu.memref_slice %arg6[%dma_start3A_253, %dma_start3A_262, %dma_start3A_263] : memref<7x128x128xf32, #tpu.memory_space<vmem>> -> memref<1x128x128xf32, #tpu.memory_space<vmem>>
        %dma_start3A_265 = tpu.memref_squeeze %dma_start3A_264 : memref<1x128x128xf32, #tpu.memory_space<vmem>> -> memref<128x128xf32, #tpu.memory_space<vmem>>
        tpu.enqueue_dma source(%dma_start3A_265 : memref<128x128xf32, #tpu.memory_space<vmem>>) target(%dma_start3A_261 : memref<128x128xf32, #tpu.memory_space<hbm>>) target_semaphore(%arg20 : memref<!tpu.dma_semaphore, #tpu.memory_space<semaphore_mem>>)
      } else {
      }
      %ge3A_176 = arith.constant 3 : i32
      %ge3A_177 = arith.cmpi sge, %add3A_171, %ge3A_176 : i32
      %sub3A_178 = arith.constant 3 : i32
      %sub3A_179 = arith.subi %add3A_171, %sub3A_178 : i32
      %lt3A_180 = arith.cmpi slt, %sub3A_179, %add3A_3 : i32
      %and3A_181 = arith.andi %ge3A_177, %lt3A_180 : i1
      %convert_element_type3A_182 = arith.extui %and3A_181 : i1 to i32
      %cond3A_183 = arith.constant 0 : i32
      %cond3A_184 = arith.cmpi ne, %convert_element_type3A_182, %cond3A_183 : i32
      scf.if %cond3A_184 {
        %sub3A_237 = arith.constant 3 : i32
        %sub3A_238 = arith.subi %add3A_171, %sub3A_237 : i32
        %mul3A_239 = arith.constant 32 : i32
        %mul3A_240 = arith.muli %sub3A_238, %mul3A_239 : i32
        %add3A_241 = arith.addi %add3A, %mul3A_240 : i32
        %mul3A_242 = arith.constant 128 : i32
        %mul3A_243 = arith.muli %add3A_241, %mul3A_242 : i32
        %min3A = arith.constant 99872 : i32
        %min3A_244 = arith.minsi %mul3A_243, %min3A : i32
        %dma_wait3A = arith.constant 1 : i32
        %dma_wait3A_245 = arith.constant 0 : i32
        %dma_wait3A_246 = arith.constant 0 : i32
        %dma_wait3A_247 = tpu.memref_slice %arg6[%dma_wait3A, %dma_wait3A_245, %dma_wait3A_246] : memref<7x128x128xf32, #tpu.memory_space<vmem>> -> memref<1x128x128xf32, #tpu.memory_space<vmem>>
        %dma_wait3A_248 = tpu.memref_squeeze %dma_wait3A_247 : memref<1x128x128xf32, #tpu.memory_space<vmem>> -> memref<128x128xf32, #tpu.memory_space<vmem>>
        %dma_wait3A_249 = arith.constant 0 : i32
        %dma_wait3A_250 = tpu.memref_slice %arg4[%min3A_244, %dma_wait3A_249] : memref<100000x128xf32, #tpu.memory_space<hbm>> -> memref<128x128xf32, #tpu.memory_space<hbm>>
        %dma_wait3A_251 = arith.constant 0 : i32
        %dma_wait3A_252 = tpu.memref_slice %arg4[%min3A_244, %dma_wait3A_251] : memref<100000x128xf32, #tpu.memory_space<hbm>> -> memref<128x128xf32, #tpu.memory_space<hbm>>
        %dma_wait3A_253 = arith.constant 0 : i32
        %dma_wait3A_254 = arith.constant 0 : i32
        %dma_wait3A_255 = tpu.memref_slice %arg6[%dma_wait3A, %dma_wait3A_253, %dma_wait3A_254] : memref<7x128x128xf32, #tpu.memory_space<vmem>> -> memref<1x128x128xf32, #tpu.memory_space<vmem>>
        %dma_wait3A_256 = tpu.memref_squeeze %dma_wait3A_255 : memref<1x128x128xf32, #tpu.memory_space<vmem>> -> memref<128x128xf32, #tpu.memory_space<vmem>>
        tpu.wait_dma2 semaphore(%arg17 : memref<!tpu.dma_semaphore, #tpu.memory_space<semaphore_mem>>) src(%dma_wait3A_256 : memref<128x128xf32, #tpu.memory_space<vmem>>) dst(%dma_wait3A_252 : memref<128x128xf32, #tpu.memory_space<hbm>>)
      } else {
      }
      %add3A_185 = arith.constant 4 : i32
      %add3A_186 = arith.addi %add3A_171, %add3A_185 : i32
      %lt3A_187 = arith.cmpi slt, %add3A_186, %add3A_3 : i32
      %convert_element_type3A_188 = arith.extui %lt3A_187 : i1 to i32
      %cond3A_189 = arith.constant 0 : i32
      %cond3A_190 = arith.cmpi ne, %convert_element_type3A_188, %cond3A_189 : i32
      scf.if %cond3A_190 {
        %add3A_237 = arith.constant 4 : i32
        %add3A_238 = arith.addi %add3A_171, %add3A_237 : i32
        %dma_start3A_239 = arith.constant 1 : i32
        %dma_start3A_240 = arith.constant 0 : i32
        %dma_start3A_241 = arith.constant 0 : i32
        %dma_start3A_242 = tpu.memref_slice %arg6[%dma_start3A_239, %dma_start3A_240, %dma_start3A_241] : memref<7x128x128xf32, #tpu.memory_space<vmem>> -> memref<1x128x128xf32, #tpu.memory_space<vmem>>
        %dma_start3A_243 = tpu.memref_squeeze %dma_start3A_242 : memref<1x128x128xf32, #tpu.memory_space<vmem>> -> memref<128x128xf32, #tpu.memory_space<vmem>>
        %dma_start3A_244 = arith.constant 0 : i32
        %dma_start3A_245 = tpu.memref_slice %arg5[%add3A_238, %dma_start3A_244] : memref<25x128xi32, #tpu.memory_space<vmem>> -> memref<1x128xi32, #tpu.memory_space<vmem>>
        %dma_start3A_246 = tpu.memref_squeeze %dma_start3A_245 : memref<1x128xi32, #tpu.memory_space<vmem>> -> memref<128xi32, #tpu.memory_space<vmem>>
        %dma_start3A_247 = arith.constant 0 : i32
        %dma_start3A_248 = arith.constant 0 : i32
        %dma_start3A_249 = tpu.memref_slice %arg7[%dma_start3A_247, %dma_start3A_248] : memref<119x128xf32, #tpu.memory_space<vmem_shared>> -> memref<119x128xf32, #tpu.memory_space<vmem_shared>>
        tpu.enqueue_indirect_dma source(%dma_start3A_249 : memref<119x128xf32, #tpu.memory_space<vmem_shared>>) target(%dma_start3A_243 : memref<128x128xf32, #tpu.memory_space<vmem>>) offsets(%dma_start3A_246 : memref<128xi32, #tpu.memory_space<vmem>>) semaphore(%arg10 : memref<!tpu.dma_semaphore, #tpu.memory_space<semaphore_mem>>)
      } else {
      }
      %mul3A_191 = arith.constant 7 : i32
      %mul3A_192 = arith.muli %scan3A_78, %mul3A_191 : i32
      %add3A_193 = arith.constant 5 : i32
      %add3A_194 = arith.addi %mul3A_192, %add3A_193 : i32
      %lt3A_195 = arith.cmpi slt, %add3A_194, %add3A_3 : i32
      %convert_element_type3A_196 = arith.extui %lt3A_195 : i1 to i32
      %cond3A_197 = arith.constant 0 : i32
      %cond3A_198 = arith.cmpi ne, %convert_element_type3A_196, %cond3A_197 : i32
      scf.if %cond3A_198 {
        %dma_wait3A = arith.constant 5 : i32
        %dma_wait3A_237 = arith.constant 0 : i32
        %dma_wait3A_238 = arith.constant 0 : i32
        %dma_wait3A_239 = tpu.memref_slice %arg6[%dma_wait3A, %dma_wait3A_237, %dma_wait3A_238] : memref<7x128x128xf32, #tpu.memory_space<vmem>> -> memref<1x128x128xf32, #tpu.memory_space<vmem>>
        %dma_wait3A_240 = tpu.memref_squeeze %dma_wait3A_239 : memref<1x128x128xf32, #tpu.memory_space<vmem>> -> memref<128x128xf32, #tpu.memory_space<vmem>>
        %dma_wait3A_241 = arith.constant 0 : i32
        %dma_wait3A_242 = tpu.memref_slice %arg5[%add3A_194, %dma_wait3A_241] : memref<25x128xi32, #tpu.memory_space<vmem>> -> memref<1x128xi32, #tpu.memory_space<vmem>>
        %dma_wait3A_243 = tpu.memref_squeeze %dma_wait3A_242 : memref<1x128xi32, #tpu.memory_space<vmem>> -> memref<128xi32, #tpu.memory_space<vmem>>
        %dma_wait3A_244 = arith.constant 0 : i32
        %dma_wait3A_245 = arith.constant 0 : i32
        %dma_wait3A_246 = tpu.memref_slice %arg7[%dma_wait3A_244, %dma_wait3A_245] : memref<119x128xf32, #tpu.memory_space<vmem_shared>> -> memref<119x128xf32, #tpu.memory_space<vmem_shared>>
        tpu.wait_indirect_dma semaphore(%arg14 : memref<!tpu.dma_semaphore, #tpu.memory_space<semaphore_mem>>) src(%dma_wait3A_246 : memref<119x128xf32, #tpu.memory_space<vmem_shared>>) dst(%dma_wait3A_240 : memref<128x128xf32, #tpu.memory_space<vmem>>)
        %mul3A_247 = arith.constant 32 : i32
        %mul3A_248 = arith.muli %add3A_194, %mul3A_247 : i32
        %add3A_249 = arith.addi %add3A, %mul3A_248 : i32
        %mul3A_250 = arith.constant 128 : i32
        %mul3A_251 = arith.muli %add3A_249, %mul3A_250 : i32
        %min3A = arith.constant 99872 : i32
        %min3A_252 = arith.minsi %mul3A_251, %min3A : i32
        %dma_start3A_253 = arith.constant 5 : i32
        %dma_start3A_254 = arith.constant 0 : i32
        %dma_start3A_255 = arith.constant 0 : i32
        %dma_start3A_256 = tpu.memref_slice %arg6[%dma_start3A_253, %dma_start3A_254, %dma_start3A_255] : memref<7x128x128xf32, #tpu.memory_space<vmem>> -> memref<1x128x128xf32, #tpu.memory_space<vmem>>
        %dma_start3A_257 = tpu.memref_squeeze %dma_start3A_256 : memref<1x128x128xf32, #tpu.memory_space<vmem>> -> memref<128x128xf32, #tpu.memory_space<vmem>>
        %dma_start3A_258 = arith.constant 0 : i32
        %dma_start3A_259 = tpu.memref_slice %arg4[%min3A_252, %dma_start3A_258] : memref<100000x128xf32, #tpu.memory_space<hbm>> -> memref<128x128xf32, #tpu.memory_space<hbm>>
        %dma_start3A_260 = arith.constant 0 : i32
        %dma_start3A_261 = tpu.memref_slice %arg4[%min3A_252, %dma_start3A_260] : memref<100000x128xf32, #tpu.memory_space<hbm>> -> memref<128x128xf32, #tpu.memory_space<hbm>>
        %dma_start3A_262 = arith.constant 0 : i32
        %dma_start3A_263 = arith.constant 0 : i32
        %dma_start3A_264 = tpu.memref_slice %arg6[%dma_start3A_253, %dma_start3A_262, %dma_start3A_263] : memref<7x128x128xf32, #tpu.memory_space<vmem>> -> memref<1x128x128xf32, #tpu.memory_space<vmem>>
        %dma_start3A_265 = tpu.memref_squeeze %dma_start3A_264 : memref<1x128x128xf32, #tpu.memory_space<vmem>> -> memref<128x128xf32, #tpu.memory_space<vmem>>
        tpu.enqueue_dma source(%dma_start3A_265 : memref<128x128xf32, #tpu.memory_space<vmem>>) target(%dma_start3A_261 : memref<128x128xf32, #tpu.memory_space<hbm>>) target_semaphore(%arg21 : memref<!tpu.dma_semaphore, #tpu.memory_space<semaphore_mem>>)
      } else {
      }
      %ge3A_199 = arith.constant 3 : i32
      %ge3A_200 = arith.cmpi sge, %add3A_194, %ge3A_199 : i32
      %sub3A_201 = arith.constant 3 : i32
      %sub3A_202 = arith.subi %add3A_194, %sub3A_201 : i32
      %lt3A_203 = arith.cmpi slt, %sub3A_202, %add3A_3 : i32
      %and3A_204 = arith.andi %ge3A_200, %lt3A_203 : i1
      %convert_element_type3A_205 = arith.extui %and3A_204 : i1 to i32
      %cond3A_206 = arith.constant 0 : i32
      %cond3A_207 = arith.cmpi ne, %convert_element_type3A_205, %cond3A_206 : i32
      scf.if %cond3A_207 {
        %sub3A_237 = arith.constant 3 : i32
        %sub3A_238 = arith.subi %add3A_194, %sub3A_237 : i32
        %mul3A_239 = arith.constant 32 : i32
        %mul3A_240 = arith.muli %sub3A_238, %mul3A_239 : i32
        %add3A_241 = arith.addi %add3A, %mul3A_240 : i32
        %mul3A_242 = arith.constant 128 : i32
        %mul3A_243 = arith.muli %add3A_241, %mul3A_242 : i32
        %min3A = arith.constant 99872 : i32
        %min3A_244 = arith.minsi %mul3A_243, %min3A : i32
        %dma_wait3A = arith.constant 2 : i32
        %dma_wait3A_245 = arith.constant 0 : i32
        %dma_wait3A_246 = arith.constant 0 : i32
        %dma_wait3A_247 = tpu.memref_slice %arg6[%dma_wait3A, %dma_wait3A_245, %dma_wait3A_246] : memref<7x128x128xf32, #tpu.memory_space<vmem>> -> memref<1x128x128xf32, #tpu.memory_space<vmem>>
        %dma_wait3A_248 = tpu.memref_squeeze %dma_wait3A_247 : memref<1x128x128xf32, #tpu.memory_space<vmem>> -> memref<128x128xf32, #tpu.memory_space<vmem>>
        %dma_wait3A_249 = arith.constant 0 : i32
        %dma_wait3A_250 = tpu.memref_slice %arg4[%min3A_244, %dma_wait3A_249] : memref<100000x128xf32, #tpu.memory_space<hbm>> -> memref<128x128xf32, #tpu.memory_space<hbm>>
        %dma_wait3A_251 = arith.constant 0 : i32
        %dma_wait3A_252 = tpu.memref_slice %arg4[%min3A_244, %dma_wait3A_251] : memref<100000x128xf32, #tpu.memory_space<hbm>> -> memref<128x128xf32, #tpu.memory_space<hbm>>
        %dma_wait3A_253 = arith.constant 0 : i32
        %dma_wait3A_254 = arith.constant 0 : i32
        %dma_wait3A_255 = tpu.memref_slice %arg6[%dma_wait3A, %dma_wait3A_253, %dma_wait3A_254] : memref<7x128x128xf32, #tpu.memory_space<vmem>> -> memref<1x128x128xf32, #tpu.memory_space<vmem>>
        %dma_wait3A_256 = tpu.memref_squeeze %dma_wait3A_255 : memref<1x128x128xf32, #tpu.memory_space<vmem>> -> memref<128x128xf32, #tpu.memory_space<vmem>>
        tpu.wait_dma2 semaphore(%arg18 : memref<!tpu.dma_semaphore, #tpu.memory_space<semaphore_mem>>) src(%dma_wait3A_256 : memref<128x128xf32, #tpu.memory_space<vmem>>) dst(%dma_wait3A_252 : memref<128x128xf32, #tpu.memory_space<hbm>>)
      } else {
      }
      %add3A_208 = arith.constant 4 : i32
      %add3A_209 = arith.addi %add3A_194, %add3A_208 : i32
      %lt3A_210 = arith.cmpi slt, %add3A_209, %add3A_3 : i32
      %convert_element_type3A_211 = arith.extui %lt3A_210 : i1 to i32
      %cond3A_212 = arith.constant 0 : i32
      %cond3A_213 = arith.cmpi ne, %convert_element_type3A_211, %cond3A_212 : i32
      scf.if %cond3A_213 {
        %add3A_237 = arith.constant 4 : i32
        %add3A_238 = arith.addi %add3A_194, %add3A_237 : i32
        %dma_start3A_239 = arith.constant 2 : i32
        %dma_start3A_240 = arith.constant 0 : i32
        %dma_start3A_241 = arith.constant 0 : i32
        %dma_start3A_242 = tpu.memref_slice %arg6[%dma_start3A_239, %dma_start3A_240, %dma_start3A_241] : memref<7x128x128xf32, #tpu.memory_space<vmem>> -> memref<1x128x128xf32, #tpu.memory_space<vmem>>
        %dma_start3A_243 = tpu.memref_squeeze %dma_start3A_242 : memref<1x128x128xf32, #tpu.memory_space<vmem>> -> memref<128x128xf32, #tpu.memory_space<vmem>>
        %dma_start3A_244 = arith.constant 0 : i32
        %dma_start3A_245 = tpu.memref_slice %arg5[%add3A_238, %dma_start3A_244] : memref<25x128xi32, #tpu.memory_space<vmem>> -> memref<1x128xi32, #tpu.memory_space<vmem>>
        %dma_start3A_246 = tpu.memref_squeeze %dma_start3A_245 : memref<1x128xi32, #tpu.memory_space<vmem>> -> memref<128xi32, #tpu.memory_space<vmem>>
        %dma_start3A_247 = arith.constant 0 : i32
        %dma_start3A_248 = arith.constant 0 : i32
        %dma_start3A_249 = tpu.memref_slice %arg7[%dma_start3A_247, %dma_start3A_248] : memref<119x128xf32, #tpu.memory_space<vmem_shared>> -> memref<119x128xf32, #tpu.memory_space<vmem_shared>>
        tpu.enqueue_indirect_dma source(%dma_start3A_249 : memref<119x128xf32, #tpu.memory_space<vmem_shared>>) target(%dma_start3A_243 : memref<128x128xf32, #tpu.memory_space<vmem>>) offsets(%dma_start3A_246 : memref<128xi32, #tpu.memory_space<vmem>>) semaphore(%arg11 : memref<!tpu.dma_semaphore, #tpu.memory_space<semaphore_mem>>)
      } else {
      }
      %mul3A_214 = arith.constant 7 : i32
      %mul3A_215 = arith.muli %scan3A_78, %mul3A_214 : i32
      %add3A_216 = arith.constant 6 : i32
      %add3A_217 = arith.addi %mul3A_215, %add3A_216 : i32
      %lt3A_218 = arith.cmpi slt, %add3A_217, %add3A_3 : i32
      %convert_element_type3A_219 = arith.extui %lt3A_218 : i1 to i32
      %cond3A_220 = arith.constant 0 : i32
      %cond3A_221 = arith.cmpi ne, %convert_element_type3A_219, %cond3A_220 : i32
      scf.if %cond3A_221 {
        %dma_wait3A = arith.constant 6 : i32
        %dma_wait3A_237 = arith.constant 0 : i32
        %dma_wait3A_238 = arith.constant 0 : i32
        %dma_wait3A_239 = tpu.memref_slice %arg6[%dma_wait3A, %dma_wait3A_237, %dma_wait3A_238] : memref<7x128x128xf32, #tpu.memory_space<vmem>> -> memref<1x128x128xf32, #tpu.memory_space<vmem>>
        %dma_wait3A_240 = tpu.memref_squeeze %dma_wait3A_239 : memref<1x128x128xf32, #tpu.memory_space<vmem>> -> memref<128x128xf32, #tpu.memory_space<vmem>>
        %dma_wait3A_241 = arith.constant 0 : i32
        %dma_wait3A_242 = tpu.memref_slice %arg5[%add3A_217, %dma_wait3A_241] : memref<25x128xi32, #tpu.memory_space<vmem>> -> memref<1x128xi32, #tpu.memory_space<vmem>>
        %dma_wait3A_243 = tpu.memref_squeeze %dma_wait3A_242 : memref<1x128xi32, #tpu.memory_space<vmem>> -> memref<128xi32, #tpu.memory_space<vmem>>
        %dma_wait3A_244 = arith.constant 0 : i32
        %dma_wait3A_245 = arith.constant 0 : i32
        %dma_wait3A_246 = tpu.memref_slice %arg7[%dma_wait3A_244, %dma_wait3A_245] : memref<119x128xf32, #tpu.memory_space<vmem_shared>> -> memref<119x128xf32, #tpu.memory_space<vmem_shared>>
        tpu.wait_indirect_dma semaphore(%arg15 : memref<!tpu.dma_semaphore, #tpu.memory_space<semaphore_mem>>) src(%dma_wait3A_246 : memref<119x128xf32, #tpu.memory_space<vmem_shared>>) dst(%dma_wait3A_240 : memref<128x128xf32, #tpu.memory_space<vmem>>)
        %mul3A_247 = arith.constant 32 : i32
        %mul3A_248 = arith.muli %add3A_217, %mul3A_247 : i32
        %add3A_249 = arith.addi %add3A, %mul3A_248 : i32
        %mul3A_250 = arith.constant 128 : i32
        %mul3A_251 = arith.muli %add3A_249, %mul3A_250 : i32
        %min3A = arith.constant 99872 : i32
        %min3A_252 = arith.minsi %mul3A_251, %min3A : i32
        %dma_start3A_253 = arith.constant 6 : i32
        %dma_start3A_254 = arith.constant 0 : i32
        %dma_start3A_255 = arith.constant 0 : i32
        %dma_start3A_256 = tpu.memref_slice %arg6[%dma_start3A_253, %dma_start3A_254, %dma_start3A_255] : memref<7x128x128xf32, #tpu.memory_space<vmem>> -> memref<1x128x128xf32, #tpu.memory_space<vmem>>
        %dma_start3A_257 = tpu.memref_squeeze %dma_start3A_256 : memref<1x128x128xf32, #tpu.memory_space<vmem>> -> memref<128x128xf32, #tpu.memory_space<vmem>>
        %dma_start3A_258 = arith.constant 0 : i32
        %dma_start3A_259 = tpu.memref_slice %arg4[%min3A_252, %dma_start3A_258] : memref<100000x128xf32, #tpu.memory_space<hbm>> -> memref<128x128xf32, #tpu.memory_space<hbm>>
        %dma_start3A_260 = arith.constant 0 : i32
        %dma_start3A_261 = tpu.memref_slice %arg4[%min3A_252, %dma_start3A_260] : memref<100000x128xf32, #tpu.memory_space<hbm>> -> memref<128x128xf32, #tpu.memory_space<hbm>>
        %dma_start3A_262 = arith.constant 0 : i32
        %dma_start3A_263 = arith.constant 0 : i32
        %dma_start3A_264 = tpu.memref_slice %arg6[%dma_start3A_253, %dma_start3A_262, %dma_start3A_263] : memref<7x128x128xf32, #tpu.memory_space<vmem>> -> memref<1x128x128xf32, #tpu.memory_space<vmem>>
        %dma_start3A_265 = tpu.memref_squeeze %dma_start3A_264 : memref<1x128x128xf32, #tpu.memory_space<vmem>> -> memref<128x128xf32, #tpu.memory_space<vmem>>
        tpu.enqueue_dma source(%dma_start3A_265 : memref<128x128xf32, #tpu.memory_space<vmem>>) target(%dma_start3A_261 : memref<128x128xf32, #tpu.memory_space<hbm>>) target_semaphore(%arg22 : memref<!tpu.dma_semaphore, #tpu.memory_space<semaphore_mem>>)
      } else {
      }
      %ge3A_222 = arith.constant 3 : i32
      %ge3A_223 = arith.cmpi sge, %add3A_217, %ge3A_222 : i32
      %sub3A_224 = arith.constant 3 : i32
      %sub3A_225 = arith.subi %add3A_217, %sub3A_224 : i32
      %lt3A_226 = arith.cmpi slt, %sub3A_225, %add3A_3 : i32
      %and3A_227 = arith.andi %ge3A_223, %lt3A_226 : i1
      %convert_element_type3A_228 = arith.extui %and3A_227 : i1 to i32
      %cond3A_229 = arith.constant 0 : i32
      %cond3A_230 = arith.cmpi ne, %convert_element_type3A_228, %cond3A_229 : i32
      scf.if %cond3A_230 {
        %sub3A_237 = arith.constant 3 : i32
        %sub3A_238 = arith.subi %add3A_217, %sub3A_237 : i32
        %mul3A_239 = arith.constant 32 : i32
        %mul3A_240 = arith.muli %sub3A_238, %mul3A_239 : i32
        %add3A_241 = arith.addi %add3A, %mul3A_240 : i32
        %mul3A_242 = arith.constant 128 : i32
        %mul3A_243 = arith.muli %add3A_241, %mul3A_242 : i32
        %min3A = arith.constant 99872 : i32
        %min3A_244 = arith.minsi %mul3A_243, %min3A : i32
        %dma_wait3A = arith.constant 3 : i32
        %dma_wait3A_245 = arith.constant 0 : i32
        %dma_wait3A_246 = arith.constant 0 : i32
        %dma_wait3A_247 = tpu.memref_slice %arg6[%dma_wait3A, %dma_wait3A_245, %dma_wait3A_246] : memref<7x128x128xf32, #tpu.memory_space<vmem>> -> memref<1x128x128xf32, #tpu.memory_space<vmem>>
        %dma_wait3A_248 = tpu.memref_squeeze %dma_wait3A_247 : memref<1x128x128xf32, #tpu.memory_space<vmem>> -> memref<128x128xf32, #tpu.memory_space<vmem>>
        %dma_wait3A_249 = arith.constant 0 : i32
        %dma_wait3A_250 = tpu.memref_slice %arg4[%min3A_244, %dma_wait3A_249] : memref<100000x128xf32, #tpu.memory_space<hbm>> -> memref<128x128xf32, #tpu.memory_space<hbm>>
        %dma_wait3A_251 = arith.constant 0 : i32
        %dma_wait3A_252 = tpu.memref_slice %arg4[%min3A_244, %dma_wait3A_251] : memref<100000x128xf32, #tpu.memory_space<hbm>> -> memref<128x128xf32, #tpu.memory_space<hbm>>
        %dma_wait3A_253 = arith.constant 0 : i32
        %dma_wait3A_254 = arith.constant 0 : i32
        %dma_wait3A_255 = tpu.memref_slice %arg6[%dma_wait3A, %dma_wait3A_253, %dma_wait3A_254] : memref<7x128x128xf32, #tpu.memory_space<vmem>> -> memref<1x128x128xf32, #tpu.memory_space<vmem>>
        %dma_wait3A_256 = tpu.memref_squeeze %dma_wait3A_255 : memref<1x128x128xf32, #tpu.memory_space<vmem>> -> memref<128x128xf32, #tpu.memory_space<vmem>>
        tpu.wait_dma2 semaphore(%arg19 : memref<!tpu.dma_semaphore, #tpu.memory_space<semaphore_mem>>) src(%dma_wait3A_256 : memref<128x128xf32, #tpu.memory_space<vmem>>) dst(%dma_wait3A_252 : memref<128x128xf32, #tpu.memory_space<hbm>>)
      } else {
      }
      %add3A_231 = arith.constant 4 : i32
      %add3A_232 = arith.addi %add3A_217, %add3A_231 : i32
      %lt3A_233 = arith.cmpi slt, %add3A_232, %add3A_3 : i32
      %convert_element_type3A_234 = arith.extui %lt3A_233 : i1 to i32
      %cond3A_235 = arith.constant 0 : i32
      %cond3A_236 = arith.cmpi ne, %convert_element_type3A_234, %cond3A_235 : i32
      scf.if %cond3A_236 {
        %add3A_237 = arith.constant 4 : i32
        %add3A_238 = arith.addi %add3A_217, %add3A_237 : i32
        %dma_start3A_239 = arith.constant 3 : i32
        %dma_start3A_240 = arith.constant 0 : i32
        %dma_start3A_241 = arith.constant 0 : i32
        %dma_start3A_242 = tpu.memref_slice %arg6[%dma_start3A_239, %dma_start3A_240, %dma_start3A_241] : memref<7x128x128xf32, #tpu.memory_space<vmem>> -> memref<1x128x128xf32, #tpu.memory_space<vmem>>
        %dma_start3A_243 = tpu.memref_squeeze %dma_start3A_242 : memref<1x128x128xf32, #tpu.memory_space<vmem>> -> memref<128x128xf32, #tpu.memory_space<vmem>>
        %dma_start3A_244 = arith.constant 0 : i32
        %dma_start3A_245 = tpu.memref_slice %arg5[%add3A_238, %dma_start3A_244] : memref<25x128xi32, #tpu.memory_space<vmem>> -> memref<1x128xi32, #tpu.memory_space<vmem>>
        %dma_start3A_246 = tpu.memref_squeeze %dma_start3A_245 : memref<1x128xi32, #tpu.memory_space<vmem>> -> memref<128xi32, #tpu.memory_space<vmem>>
        %dma_start3A_247 = arith.constant 0 : i32
        %dma_start3A_248 = arith.constant 0 : i32
        %dma_start3A_249 = tpu.memref_slice %arg7[%dma_start3A_247, %dma_start3A_248] : memref<119x128xf32, #tpu.memory_space<vmem_shared>> -> memref<119x128xf32, #tpu.memory_space<vmem_shared>>
        tpu.enqueue_indirect_dma source(%dma_start3A_249 : memref<119x128xf32, #tpu.memory_space<vmem_shared>>) target(%dma_start3A_243 : memref<128x128xf32, #tpu.memory_space<vmem>>) offsets(%dma_start3A_246 : memref<128xi32, #tpu.memory_space<vmem>>) semaphore(%arg12 : memref<!tpu.dma_semaphore, #tpu.memory_space<semaphore_mem>>)
      } else {
      }
    }
    %scan3A_77 = arith.constant 4 : i32
    return
  }
}

</mosaic_0001>

<sc_bundles>
// kernel: kernel.3.cloned.1.call-start
scs
__scs_entry_jumppad:
0x0: {  	(pc) =	sbr.rel $0x88, $3  }
0x1: {  	(tag) =	ssettag $0x0;
	lr =	simm.s32 $0x1  }
0x2: {  	[smem:$0x3F9F] =	sst lr;
	_ =	strace $0xD0000000  }
0x3: {  	_ = 	snop  }
0x4: {  	_ = 	snop  }
0x5: {  	_ = 	snop  }
0x6: {  	_ = 	snop  }
0x7: {  	_ = 	snop  }
__scs_overlays_trampoline_lowered:
0x8: {  	[smem:$0x3FAE] =	sst s0  }
0x9: {  	[smem:$0x3FAF] =	sst s1  }
0xa: {  	[smem:$0x3FB0] =	sst s2  }
0xb: {  	[smem:$0x3FB1] =	sst s3  }
0xc: {  	[smem:$0x3FB2] =	sst s4  }
0xd: {  	[smem:$0x3FB3] =	sst s5  }
0xe: {  	[smem:$0x3FB4] =	sst s6  }
0xf: {  	[smem:$0x3FB5] =	sst s7  }
0x10: {  	[smem:$0x3FB6] =	sst s8  }
0x11: {  	[smem:$0x3FB7] =	sst s9;
	s0 =	simm.s32 @!p0 $0x0  }
0x12: {  	s1 =	sld [smem:$0x3F9D];
	s0 =	simm.s32 @p0 $0x1  }
0x13: {  	[smem:$0x3FB8] =	sst s0;
	s0 =	simm.s32 @!p1 $0x0  }
0x14: {  	s2 =	sld [smem:$0x3F9C];
	s0 =	simm.s32 @p1 $0x1  }
0x15: {  	[smem:$0x3FB9] =	sst s0;
	s0 =	simm.s32 @!p2 $0x0  }
0x16: {  	s3 =	sld [smem:$0x3FDB];
	s0 =	simm.s32 @p2 $0x1  }
0x17: {  	s4 =	simm.s32 $0x1BF5;
	[smem:$0x3FBB] =	sst s0  }
0x18: {  	s0 =	sld [smem:$0x3F9E];
	_ =	swait.ge [sflag:s4], $0x0  }
0x19: {  	s7 =	sld [smem:$0x3F9F]  }
0x1a: {  	s8 =	sadd.s32 $0xFFFFE003, lr  }
0x1b: {  	s9 =	sadd.s32 $0xFFFFFEF7, lr;
	s5 =	simm.s32 $0xFFFFFFFF;
	p2 =	slt.u32 s8, $0xFFFFF086  }
0x1c: {  	p1 =	slt.u32 s9, $0xF7A;
	s5 =	simm.s32 @!p2 $0x0  }
0x1d: {  	s5 =	simm.s32 @p1 $0x1;
	p0 =	seq.s32 s7, s2  }
0x1e: {  	s7 =	smul.u32 @!p0 $0xF7A, s2;
	p2 =	seq.s32 @!p0 s5, $0x0  }
0x1f: {  	s9 =	smul.u32 $0xF7A, s1;
	s8 =	simm.s32 @!p0 $0x1BF5;
	p2 =	por !p2, p0  }
0x20: {  	[sflag:s8] =	ssyncset.s32 @!p0 $0xFFFFF086;
	s6 =	sadd.s32 @!p0 s3, s7;
	s7 =	simm.s32 @!p0 $0x108  }
0x21: {  	s3 =	sadd.s32 s3, s9;
	s6 =	sadd.s32 @!p0 $0x88, s6;
	s7 =	simm.s32 @p2 $0x1082  }
0x22: {  	[simem:s7], [sflag:s8] =	dma.local @!p0 [hbm:s6], $0xF7A  }
0x23: {  	s9 =	sor.u32 $0xD0000000, s2;
	s6 =	simm.s32 $0x108;
	_ =	swait.ge @!p0 [sflag:s8], $0x0  }
0x24: {  	s3 =	sadd.s32 $0x88, s3;
	s6 =	simm.s32 @!p1 $0x1082;
	[sflag:s4] =	ssyncset.s32 $0xFFFFF086  }
0x25: {  	[simem:s6], [sflag:s4] =	dma.local [hbm:s3], $0xF7A  }
0x26: {  	[smem:$0x3F9F] =	sst s1;
	(tag) =	ssettag s2;
	_ =	strace s9  }
0x27: {  	s1 =	sld [smem:$0x3FAF]  }
0x28: {  	s2 =	sld [smem:$0x3FB0]  }
0x29: {  	s4 =	sld [smem:$0x3FB2]  }
0x2a: {  	p0 =	seq.s32 s5, $0x0;
	s5 =	sld [smem:$0x3FB3]  }
0x2b: {  	s6 =	sld [smem:$0x3FB4]  }
0x2c: {  	s7 =	sld [smem:$0x3FB5]  }
0x2d: {  	s3 =	simm.s32 $0x108;
	s8 =	sld [smem:$0x3FB6]  }
0x2e: {  	s3 =	simm.s32 @!p0 $0x1082;
	s9 =	sld [smem:$0x3FB7]  }
0x2f: {  	lr =	sadd.s32 s0, s3;
	s0 =	sld [smem:$0x3FAE]  }
0x30: {  	s3 =	sld [smem:$0x3FB1]  }
0x31: {  	[smem:$0x3FBA] =	sst s10  }
0x32: {  	s10 =	sld [smem:$0x3FB8];
	_ =	sdelay $0x3  }
0x33: {  	p0 =	seq.s32 s10, $0x1;
	s10 =	sld [smem:$0x3FBA];
	_ =	sdelay $0x3  }
0x34: {  	[smem:$0x3FBA] =	sst s10  }
0x35: {  	s10 =	sld [smem:$0x3FB9];
	_ =	sdelay $0x3  }
0x36: {  	p1 =	seq.s32 s10, $0x1;
	s10 =	sld [smem:$0x3FBA];
	_ =	sdelay $0x3  }
0x37: {  	[smem:$0x3FBA] =	sst s10  }
0x38: {  	s10 =	sld [smem:$0x3FBB]  }
0x39: {  	_ = 	snop;
	(pc) =	sbr.ind lr, $3  }
0x3a: {  	_ = 	snop  }
0x3b: {  	_ = 	snop  }
0x3c: {  	p2 =	seq.s32 s10, $0x1;
	s10 =	sld [smem:$0x3FBA]  }
0x3d: {  	_ =	shalt  }
0x3e: {  	_ =	shalt  }
0x3f: {  	_ =	shalt  }
0x40: {  	_ =	shalt  }
0x41: {  	_ =	shalt  }
0x42: {  	_ =	shalt  }
0x43: {  	_ =	shalt  }
0x44: {  	_ =	shalt  }
0x45: {  	_ =	shalt  }
0x46: {  	_ =	shalt  }
0x47: {  	_ =	shalt  }
0x48: {  	_ =	shalt  }
0x49: {  	_ =	shalt  }
0x4a: {  	_ =	shalt  }
0x4b: {  	_ =	shalt  }
0x4c: {  	_ =	shalt  }
0x4d: {  	_ =	shalt  }
0x4e: {  	_ =	shalt  }
0x4f: {  	_ =	shalt  }
0x50: {  	_ =	shalt  }
0x51: {  	_ =	shalt  }
0x52: {  	_ =	shalt  }
0x53: {  	_ =	shalt  }
0x54: {  	_ =	shalt  }
0x55: {  	_ =	shalt  }
0x56: {  	_ =	shalt  }
0x57: {  	_ =	shalt  }
0x58: {  	_ =	shalt  }
0x59: {  	_ =	shalt  }
0x5a: {  	_ =	shalt  }
0x5b: {  	_ =	shalt  }
0x5c: {  	_ =	shalt  }
0x5d: {  	_ =	shalt  }
0x5e: {  	_ =	shalt  }
0x5f: {  	_ =	shalt  }
0x60: {  	_ =	shalt  }
0x61: {  	_ =	shalt  }
0x62: {  	_ =	shalt  }
0x63: {  	_ =	shalt  }
0x64: {  	_ =	shalt  }
0x65: {  	_ =	shalt  }
0x66: {  	_ =	shalt  }
0x67: {  	_ =	shalt  }
0x68: {  	_ =	shalt  }
0x69: {  	_ =	shalt  }
0x6a: {  	_ =	shalt  }
0x6b: {  	_ =	shalt  }
0x6c: {  	_ =	shalt  }
0x6d: {  	_ =	shalt  }
0x6e: {  	_ =	shalt  }
0x6f: {  	_ =	shalt  }
0x70: {  	_ =	shalt  }
0x71: {  	_ =	shalt  }
0x72: {  	_ =	shalt  }
0x73: {  	_ =	shalt  }
0x74: {  	_ =	shalt  }
0x75: {  	_ =	shalt  }
0x76: {  	_ =	shalt  }
0x77: {  	_ =	shalt  }
0x78: {  	_ =	shalt  }
0x79: {  	_ =	shalt  }
0x7a: {  	_ =	shalt  }
0x7b: {  	_ =	shalt  }
0x7c: {  	_ =	shalt  }
0x7d: {  	_ =	shalt  }
0x7e: {  	_ =	shalt  }
0x7f: {  	_ =	shalt  }
0x80: {  	_ =	shalt  }
0x81: {  	_ =	shalt  }
0x82: {  	_ =	shalt  }
0x83: {  	_ =	shalt  }
0x84: {  	_ =	shalt  }
0x85: {  	_ =	shalt  }
0x86: {  	_ =	shalt  }
0x87: {  	_ =	shalt  }
.Lfunc_end0:
.L_simem_size_0:
called_computation_lowered:
.L_overlay_start_0:
0x88: {  	s2 =	sld [smem:$0x3FD9]  }
0x89: {  	s3 =	sld [smem:$0x3FFE];
	_ =	sdelay $0x1  }
0x8a: {  	s1 =	srdreg.scid  }
0x8b: {  	s0 =	sand.u32 $0x1, s1  }
0x8c: {  	s18 =	sshll.u32 s0, $0xA;
	s2 =	sadd.s32 s3, s2  }
0x8d: {  	s2 =	sadd.s32 s2, s18  }
0x8e: {  	[smem:$0x3FC6] =	sst s2  }
0x8f: {  	_ = 	snop  }
0x90: {  	s2 =	sld [smem:$0x3FC9]  }
0x91: {  	s19 =	sld [smem:$0x3FC8]  }
0x92: {  	s4 =	sld [smem:$0x3FD0];
	(tm) =	ssettm $0x1  }
0x93: {  	s5 =	sld [smem:$0x3FFB];
	_ =	sdelay $0x3  }
0x94: {  	_ =	strace s5  }
0x95: {  	s5 =	sld [smem:$0x3FFC];
	_ =	sdelay $0x3  }
0x96: {  	_ =	strace s5  }
0x97: {  	s5 =	sld [smem:$0x3FFD];
	_ =	sdelay $0x3  }
0x98: {  	_ =	strace s5  }
0x99: {  	_ =	strace $0x8FFFFFFF  }
0x9a: {  	s20 =	sld [smem:$0x3FDB];
	_ =	sdelay $0x1  }
0x9b: {  	s6 =	simm.s32 $_scs_section_size  }
0x9c: {  	s7 =	simm.s32 $_size__tile_overlayer_lowered;
	s8 =	simm.s32 $_tile_overlayer_lowered  }
0x9d: {  	s23 =	simm.s32 $0x1BFF;
	s22 =	sshll.u32 s8, $0x1;
	s5 =	sadd.s32 s6, s20  }
0x9e: {  	s9 =	simm.s32 $0x0;
	s21 =	sshll.u32 s7, $0x1;
	s7 =	sadd.s32 s22, s5  }
0x9f: {  	[timem:s9], [sflag:s23] =	dma.local [hbm:s7], s21  }
0xa0: {  	_ =	swait.ge [sflag:s23], s21  }
0xa1: {  	s6 =	ssub.s32 $0x0, s21;
	[sflag:s23] =	ssyncset.done $0x0  }
0xa2: {  	[sflag:s23] =	ssyncadd.s32 s6;
	_ =	sdelay $0x1  }
0xa3: {  	s24 =	simm.s32 $0x1B8B  }
0xa4: {  	_ =	swait.ge [sflag:s24], $0x1  }
0xa5: {  	[sflag:s24] =	ssyncset.done $0x0  }
0xa6: {  	s25 =	simm.s32 $0x1B8E;
	[sflag:s24] =	ssyncadd.s32 $0xFFFFFFFF  }
0xa7: {  	s26 =	simm.s32 $execute0_lowered;
	[smem:$0x3FD2] =	sst s25  }
0xa8: {  	s6 =	sshll.u32 s26, $0x1;
	_ =	strace $0x80000046;
	[dreg:$0x1] =	wrdreg $0xFFFFFFFF  }
0xa9: {  	s28 =	simm.s32 $_size_execute0_lowered;
	s5 =	sadd.s32 s5, s6;
	[dreg:$0x0] =	wrdreg $0x0  }
0xaa: {  	s6 =	sshll.u32 s28, $0x1;
	[dreg:$0x2] =	wrdreg s5  }
0xab: {  	[dreg:$0x3] =	wrdreg s6  }
0xac: {  	[dreg:$0x4] =	wrdreg $0xC0  }
0xad: {  	_ =	task [dreg:s9], $0x5FFFF  }
0xae: {  	[dreg:$0x1] =	wrdreg $0xFFFFFFFF  }
0xaf: {  	[dreg:$0x0] =	wrdreg $0x60  }
0xb0: {  	[dreg:$0x2] =	wrdreg s2  }
0xb1: {  	[dreg:$0x3] =	wrdreg s19  }
0xb2: {  	[dreg:$0x4] =	wrdreg s4  }
0xb3: {  	[dreg:$0x5] =	wrdreg $0x1D0000  }
0xb4: {  	[dreg:$0x6] =	wrdreg $0x9  }
0xb5: {  	_ =	task.clear_ibuf [dreg:s9], $0x7FFFF;
	_ =	strace $0x90000046  }
0xb6: {  	s29 =	simm.s32 $0x9;
	_ =	strace $0x80000048  }
0xb7: {  	_ =	swait.ge [sflag:s29], $0x1  }
0xb8: {  	[sflag:s29] =	ssyncadd.s32 $0xFFFFFFFF  }
0xb9: {  	_ =	strace $0x90000048  }
0xba: {  	_ =	sfence  }
0xbb: {  	s30 =	sld [smem:$0x0];
	_ =	sdelay $0x2  }
0xbc: {  	s31 =	sshll.u32 s1, $0xD;
	s1 =	sshrl.u32 s1, $0x2  }
0xbd: {  	s3 =	sand.u32 $0x4000, s31;
	s1 =	sadd.s32 s1, s30  }
0xbe: {  	s0 =	sor.u32 s3, s0;
	s1 =	sshll.u32 s1, $0x11  }
0xbf: {  	s0 =	sor.u32 s1, s0  }
0xc0: {  	s0 =	sadd.s32 $0x8F2B, s0  }
0xc1: {  	[sflag:s0] =	ssyncadd.remote.s32 $0x1  }
0xc2: {  	_ =	sfence.sel $0xFFFF  }
0xc3: {  	[dreg:$0x0] =	wrdreg $0xFFFFFFFF;
	(pc) =	sbr.abs _section_cstart, $3  }
0xc4: {  	[dreg:$0x1] =	wrdreg $0xFFFFFFFF  }
0xc5: {  	_ =	task.clear_ibuf [dreg:s9], $0x2FFFF;
	_ =	strace $0x9FFFFFFF  }
0xc6: {  	(tm) =	ssettm $0x7FFFFFFF  }
0xc7: {  	_ =	shalt  }
tec
execute0_lowered:
.L_overlay_start_1:
0x0: {  	(tag) =	ssettag $0x1  }
0x1: {  	s1 =	rddreg [dreg:$0x0]  }
0x2: {  	s3 =	rddreg [dreg:$0x2]  }
0x3: {  	s4 =	rddreg [dreg:$0x3];
	s0 =	srdreg.scid  }
0x4: {  	s5 =	simm.s32 $0x0;
	s2 =	stileid.u32;
	s6 =	simm.s32 $0x19  }
0x5: {  	s12 =	simm.s32 $0x1;
	s14 =	simm.s32 $0x1000;
	s15 =	simm.s32 $0x5000  }
0x6: {  	s17 =	simm.s32 $0x9000;
	s20 =	simm.s32 $0x2;
	s21 =	simm.s32 $0x3  }
0x7: {  	s0 =	sand.u32 $0x1, s0;
	[smem:$0x7FF] =	sst s5;
	p0 =	slt.u32 s2, $0x7  }
0x8: {  	s29 =	sshll.u32 s2, $0x8;
	s30 =	sshll.u32 s2, $0xC;
	s7 =	ssub.s32 $0x2, s0  }
0x9: {  	s9 =	sshll.u32 s0, $0x7;
	s10 =	sadd.s32 s30, s3;
	s0 =	sshll.u32 s0, $0xB  }
0xa: {  	_ =	strace $0x80000047;
	s8 =	sshrl.u32 s7, $0x1;
	s0 =	sadd.s32 s0, s10  }
0xb: {  	s6 =	simm.s32 @!p0 $0x18;
	s7 =	ssub.s32 s7, s8;
	s0 =	sadd.s32 $0x20000, s0  }
0xc: {  	p0 =	sne.s32 s2, $0x0;
	s7 =	smax.u32 s7, $0x1;
	[dreg:$0x7] =	wrdreg s0  }
0xd: {  	s0 =	simm.s32 @!p0 $0x0;
	[dreg:$0x5] =	wrdreg s7;
	s7 =	sor.u32 s9, s29  }
0xe: {  	s22 =	simm.s32 $0x4;
	s0 =	simm.s32 @p0 $0x1;
	[dreg:$0x6] =	wrdreg s7  }
0xf: {  	s23 =	simm.s32 $0x9;
	s31 =	sor.u32 $0x3000, s7;
	[smem:$0x7FD] =	sst s0  }
0x10: {  	s24 =	simm.s32 $0xA;
	s0 =	sshrl.u32 @!p0 s4, $0x3;
	[dreg:$0x8] =	wrdreg s31  }
0x11: {  	s25 =	simm.s32 $0xB;
	s2 =	simm.s32 $0x0;
	[dreg:$0x9] =	wrdreg s0  }
.LBB2_1:
0x12: {  	s31 =	rddreg [dreg:$0x6]  }
0x13: {  	p1 =	slt.s32 s31, $0x18620;
	s0 =	smov.u32 s31  }
0x14: {  	s0 =	simm.s32 @!p1 $0x18620;
	p1 =	sne.s32 s6, $0x1  }
.Ltmp0:
0x15: {  	_ = 	snop;
	(pc) =	sbr.rel @!p1 .LBB2_3-.Ltmp0, $4  }
0x16: {  	s0 =	sshrl.u32 s0, $0x3  }
0x17: {  	[dreg:$0xa] =	wrdreg s2;
	s0 =	sadd.s32 s1, s0  }
0x18: {  	[tilespmem:s5], [sflag:$0x1] =	stream.linear.gather [hbm4b:s0+s5], $0x80, $0x38;
	[tilespmem:$0x1D3B8] =	vst v63  }
0x19: {  	s7 =	simm.s32 $0x0;
	s2 =	sadd.s32 $0x1000, s31;
	s0 =	sadd.s32 $0xFFFFFFFF, s6  }
.LBB2_2:
0x1a: {  	p2 =	slt.s32 s2, $0x18620  }
0x1b: {  	p3 =	sne.s32 s0, $0x1;
	s0 =	sadd.s32 $0xFFFFFFFF, s0;
	s11 =	smov.u32 s2  }
.Ltmp1:
0x1c: {  	s11 =	simm.s32 @!p2 $0x18620;
	(pc) =	sbr.rel @p3 .LBB2_2-.Ltmp1, $4  }
0x1d: {  	s11 =	sshrl.u32 s11, $0x3  }
0x1e: {  	s7 =	sadd.s32 $0x80, s7;
	s11 =	sadd.s32 s1, s11  }
0x1f: {  	[tilespmem:s7], [sflag:$0x1] =	stream.linear.gather [hbm4b:s11+s5], $0x80, $0x38;
	[tilespmem:$0x1D3B8] =	vst v63  }
0x20: {  	s2 =	sadd.s32 $0x1000, s2  }
.LBB2_3:
0x21: {  	s0 =	sld [smem:$0x7FD];
	_ =	sdelay $0x2  }
0x22: {  	s2 =	rddreg [dreg:$0x1];
	p0 =	seq.s32 s0, $0x1  }
0x23: {  	s7 =	rddreg [dreg:$0x9];
	s0 =	simm.s32 @!p0 $0x1C10  }
0x24: {  	[spmem:s7], [sflag:s0] =	dma.local @!p0 [hbm:s2], $0x770  }
0x25: {  	s0 =	simm.s32 @!p0 $0x10  }
0x26: {  	_ =	swait.ge @!p0 [sflag:s0], $0x770  }
.Ltmp2:
0x27: {  	[sflag:s0] =	ssyncset.done @!p0 $0x0;
	(pc) =	sbr.rel @!p1 .LBB2_5-.Ltmp2, $4  }
0x28: {  	[sflag:s0] =	ssyncadd.s32 @!p0 $0xFFFFF890  }
0x29: {  	[bflag:$0x0] =	sbarrier.arrive $0xFFFF  }
0x2a: {  	_ =	swait.ge [sflag:s12], $0x80  }
0x2b: {  	s0 =	sadd.s32 $0xFFFFFFFF, s6;
	[sflag:s12] =	ssyncset.done $0x0  }
.LBB2_4:
0x2c: {  	p1 =	sne.s32 s0, $0x1;
	s0 =	sadd.s32 $0xFFFFFFFF, s0;
	[sflag:s12] =	ssyncadd.s32 $0xFFFFFF80  }
.Ltmp3:
0x2d: {  	(pc) =	sbr.rel @p1 .LBB2_4-.Ltmp3, $3  }
0x2e: {  	_ =	sdelay $0x1  }
0x2f: {  	_ =	swait.ge [sflag:s12], $0x80  }
0x30: {  	[sflag:s12] =	ssyncset.done $0x0  }
.LBB2_5:
0x31: {  	[sflag:s12] =	ssyncadd.s32 $0xFFFFFF80;
	s0 =	simm.s32 $0x80  }
0x32: {  	[tilespmem:s14], [sflag:$0x2] =	stream.indirect.gather [spmem:s4], $0x80, s5, s0, $0xb8;
	[tilespmem:$0x1D3B8] =	vst v63  }
0x33: {  	_ = 	snop  }
0x34: {  	[tilespmem:s15], [sflag:$0x3] =	stream.indirect.gather [spmem:s4], $0x80, s0, s0, $0xb8;
	[tilespmem:$0x1D3B8] =	vst v63  }
0x35: {  	s2 =	simm.s32 $0x100  }
0x36: {  	[tilespmem:s17], [sflag:$0x4] =	stream.indirect.gather [spmem:s4], $0x80, s2, s0, $0xb8;
	[tilespmem:$0x1D3B8] =	vst v63  }
0x37: {  	s18 =	simm.s32 $0x180;
	s7 =	simm.s32 $0xD000  }
0x38: {  	[tilespmem:s7], [sflag:$0x5] =	stream.indirect.gather [spmem:s4], $0x80, s18, s0, $0xb8;
	[tilespmem:$0x1D3B8] =	vst v63  }
0x39: {  	_ =	swait.ge [sflag:s20], $0x4000  }
0x3a: {  	p5 =	por $0x1, $0x1;
	[sflag:s20] =	ssyncset.done $0x0;
	s8 =	rddreg [dreg:$0x7]  }
0x3b: {  	s0 =	simm.s32 @!p5 $0xD;
	[sflag:s20] =	ssyncadd.s32 $0xFFFFC000;
	s19 =	sadd.s32 $0xFFFE0000, s8  }
0x3c: {  	[hbm4b:s19+s5] =	stream.linear.scatter [tilespmem:s14], [sflag:$0x9], $0x4000, $0x38;
	[tilespmem:$0x1D3B8] =	vst v63  }
0x3d: {  	p4 =	sle.u32 s6, $0x4;
	_ =	swait.ge @!p5 [sflag:s0], $0x4000  }
0x3e: {  	s11 =	simm.s32 @!p4 $0x80;
	[sflag:s0] =	ssyncset.done @!p5 $0x0  }
0x3f: {  	s2 =	simm.s32 @!p4 $0x200;
	s7 =	simm.s32 @!p4 $0x11000;
	[sflag:s0] =	ssyncadd.s32 @!p5 $0xFFFFC000  }
0x40: {  	[tilespmem:s7], [sflag:$0x6] =	stream.indirect.gather @!p4 [spmem:s4], $0x80, s2, s11, $0xb8;
	[tilespmem:$0x1D3B8] =	vst v63  }
0x41: {  	_ =	swait.ge [sflag:s21], $0x4000  }
0x42: {  	[sflag:s21] =	ssyncset.done $0x0  }
0x43: {  	s26 =	sadd.s32 $0xFFFF0000, s8;
	s2 =	simm.s32 @!p5 $0xE;
	[sflag:s21] =	ssyncadd.s32 $0xFFFFC000  }
0x44: {  	[hbm4b:s26+s5] =	stream.linear.scatter [tilespmem:s15], [sflag:$0xA], $0x4000, $0x38;
	[tilespmem:$0x1D3B8] =	vst v63  }
0x45: {  	p3 =	sle.u32 s6, $0x5;
	_ =	swait.ge @!p5 [sflag:s2], $0x4000  }
0x46: {  	s16 =	simm.s32 @!p3 $0x80;
	[sflag:s2] =	ssyncset.done @!p5 $0x0  }
0x47: {  	s0 =	simm.s32 @!p3 $0x15000;
	s11 =	simm.s32 @!p3 $0x280;
	[sflag:s2] =	ssyncadd.s32 @!p5 $0xFFFFC000  }
0x48: {  	[tilespmem:s0], [sflag:$0x7] =	stream.indirect.gather @!p3 [spmem:s4], $0x80, s11, s16, $0xb8;
	[tilespmem:$0x1D3B8] =	vst v63  }
0x49: {  	_ =	swait.ge [sflag:s22], $0x4000  }
0x4a: {  	[sflag:s22] =	ssyncset.done $0x0  }
0x4b: {  	p2 =	sle.u32 s6, $0x6;
	s2 =	simm.s32 @!p5 $0xF;
	[sflag:s22] =	ssyncadd.s32 $0xFFFFC000  }
0x4c: {  	[hbm4b:s8+s5] =	stream.linear.scatter [tilespmem:s17], [sflag:$0xB], $0x4000, $0x38;
	[tilespmem:$0x1D3B8] =	vst v63  }
0x4d: {  	p0 =	sle.u32 s6, $0x3;
	s18 =	simm.s32 @!p2 $0x300;
	_ =	swait.ge @!p5 [sflag:s2], $0x4000  }
0x4e: {  	s11 =	simm.s32 @!p2 $0x80;
	s31 =	rddreg [dreg:$0x8];
	[sflag:s2] =	ssyncset.done @!p5 $0x0  }
0x4f: {  	s16 =	simm.s32 @!p0 $0x5;
	p6 =	slt.s32 @!p0 s31, $0x18620;
	[sflag:s2] =	ssyncadd.s32 @!p5 $0xFFFFC000  }
0x50: {  	s2 =	simm.s32 @!p2 $0x19000;
	s19 =	smov.u32 s31;
	p5 =	por !p6, p0  }
0x51: {  	[tilespmem:s2], [sflag:$0x8] =	stream.indirect.gather @!p2 [spmem:s4], $0x80, s18, s11, $0xb8;
	[tilespmem:$0x1D3B8] =	vst v63  }
0x52: {  	s19 =	simm.s32 @p5 $0x18620;
	_ =	swait.ge @!p0 [sflag:s16], $0x4000  }
0x53: {  	s11 =	simm.s32 @!p0 $0xD000;
	s18 =	sshll.u32 @!p0 s19, $0x4;
	[sflag:s16] =	ssyncset.done @!p0 $0x0  }
0x54: {  	s19 =	simm.s32 @!p0 $0x0;
	s18 =	sadd.s32 @!p0 s3, s18;
	[sflag:s16] =	ssyncadd.s32 @!p0 $0xFFFFC000  }
0x55: {  	[hbm4b:s18+s19] =	stream.linear.scatter @!p0 [tilespmem:s11], [sflag:$0xC], $0x4000, $0x38;
	[tilespmem:$0x1D3B8] =	vst v63  }
0x56: {  	p5 =	sle.u32 s6, $0x7;
	_ =	swait.ge [sflag:s23], $0x4000  }
0x57: {  	s16 =	simm.s32 @!p5 $0x1000;
	s11 =	sadd.s32 @!p4 $0x1000, s31;
	[sflag:s23] =	ssyncset.done $0x0  }
0x58: {  	s18 =	simm.s32 @!p5 $0x380;
	s19 =	simm.s32 @!p5 $0x80;
	[sflag:s23] =	ssyncadd.s32 $0xFFFFC000  }
0x59: {  	[tilespmem:s16], [sflag:$0x2] =	stream.indirect.gather @!p5 [spmem:s4], $0x80, s18, s19, $0xb8;
	[tilespmem:$0x1D3B8] =	vst v63  }
0x5a: {  	p5 =	slt.s32 @!p4 s11, $0x18620  }
0x5b: {  	s16 =	simm.s32 @!p4 $0x6;
	p5 =	por !p5, p4  }
0x5c: {  	_ =	swait.ge @!p4 [sflag:s16], $0x4000;
	s11 =	simm.s32 @p5 $0x18620  }
0x5d: {  	s18 =	sadd.s32 @!p3 $0x2000, s31;
	[sflag:s16] =	ssyncset.done @!p4 $0x0;
	s11 =	sshll.u32 @!p4 s11, $0x4  }
0x5e: {  	s19 =	simm.s32 @!p4 $0x0;
	[sflag:s16] =	ssyncadd.s32 @!p4 $0xFFFFC000;
	s11 =	sadd.s32 @!p4 s3, s11  }
0x5f: {  	[hbm4b:s11+s19] =	stream.linear.scatter @!p4 [tilespmem:s7], [sflag:$0xD], $0x4000, $0x38;
	[tilespmem:$0x1D3B8] =	vst v63  }
0x60: {  	s28 =	simm.s32 $0x11;
	p5 =	sle.u32 s6, $0x9;
	p4 =	slt.s32 @!p3 s18, $0x18620  }
0x61: {  	s16 =	simm.s32 $0x500;
	s7 =	sadd.s32 @!p2 $0x3000, s31;
	p4 =	por !p4, p3  }
0x62: {  	_ =	swait.ge [sflag:s24], $0x4000;
	s18 =	simm.s32 @p4 $0x18620;
	p4 =	slt.s32 @!p2 s7, $0x18620  }
0x63: {  	s19 =	simm.s32 @!p3 $0x7;
	[sflag:s24] =	ssyncset.done $0x0;
	p4 =	por !p4, p2  }
0x64: {  	[sflag:s24] =	ssyncadd.s32 $0xFFFFC000;
	s7 =	simm.s32 @p4 $0x18620;
	p4 =	sle.u32 s6, $0x8  }
0x65: {  	s11 =	simm.s32 @!p4 $0x80;
	s29 =	simm.s32 @!p4 $0x400;
	s30 =	simm.s32 @!p4 $0x5000  }
0x66: {  	[tilespmem:s30], [sflag:$0x3] =	stream.indirect.gather @!p4 [spmem:s4], $0x80, s29, s11, $0xb8;
	[tilespmem:$0x1D3B8] =	vst v63  }
0x67: {  	s7 =	sshll.u32 @!p2 s7, $0x4;
	s11 =	sshll.u32 @!p3 s18, $0x4;
	_ =	swait.ge @!p3 [sflag:s19], $0x4000  }
0x68: {  	s7 =	sadd.s32 @!p2 s3, s7;
	s18 =	simm.s32 @!p3 $0x0;
	[sflag:s19] =	ssyncset.done @!p3 $0x0  }
0x69: {  	p4 =	sle.u32 s6, $0xA;
	s11 =	sadd.s32 @!p3 s3, s11;
	[sflag:s19] =	ssyncadd.s32 @!p3 $0xFFFFC000  }
0x6a: {  	[hbm4b:s11+s18] =	stream.linear.scatter @!p3 [tilespmem:s0], [sflag:$0xE], $0x4000, $0x38;
	[tilespmem:$0x1D3B8] =	vst v63  }
0x6b: {  	s29 =	simm.s32 $0x880;
	s30 =	smov.u32 s8;
	_ =	swait.ge [sflag:s25], $0x4000  }
0x6c: {  	s19 =	simm.s32 @!p5 $0x80;
	s18 =	simm.s32 @!p2 $0x8;
	[sflag:s25] =	ssyncset.done $0x0  }
0x6d: {  	s0 =	simm.s32 @!p5 $0x480;
	s11 =	simm.s32 @!p5 $0x9000;
	[sflag:s25] =	ssyncadd.s32 $0xFFFFC000  }
.LBB2_6:
0x6e: {  	[tilespmem:s11], [sflag:$0x4] =	stream.indirect.gather @!p5 [spmem:s4], $0x80, s0, s19, $0xb8;
	[tilespmem:$0x1D3B8] =	vst v63  }
0x6f: {  	_ =	swait.ge @!p2 [sflag:s18], $0x4000  }
0x70: {  	[sflag:s18] =	ssyncset.done @!p2 $0x0  }
0x71: {  	s0 =	smov.u32 s28;
	s19 =	simm.s32 @!p2 $0x0;
	[sflag:s18] =	ssyncadd.s32 @!p2 $0xFFFFC000  }
0x72: {  	[hbm4b:s7+s19] =	stream.linear.scatter @!p2 [tilespmem:s2], [sflag:$0xF], $0x4000, $0x38;
	[tilespmem:$0x1D3B8] =	vst v63  }
0x73: {  	s19 =	sadd.s32 $0xFFFFFFFD, s0  }
0x74: {  	s11 =	simm.s32 @!p0 $0xC;
	s18 =	sadd.s32 $0xFFFFFFFA, s0;
	p1 =	sge.u32 s19, s6  }
0x75: {  	p3 =	sge.u32 s18, s6;
	_ =	swait.ge @!p0 [sflag:s11], $0x4000;
	s7 =	simm.s32 @!p1 $0x0  }
0x76: {  	s18 =	simm.s32 @!p4 $0xD000;
	[sflag:s11] =	ssyncset.done @!p0 $0x0;
	s7 =	simm.s32 @p1 $0x1  }
0x77: {  	[sflag:s11] =	ssyncadd.s32 @!p0 $0xFFFFC000;
	s11 =	simm.s32 @!p4 $0x80;
	[smem:$0x7FC] =	sst s7  }
0x78: {  	[tilespmem:s18], [sflag:$0x5] =	stream.indirect.gather @!p4 [spmem:s4], $0x80, s16, s11, $0xb8;
	[tilespmem:$0x1D3B8] =	vst v63  }
0x79: {  	_ =	swait.ge [sflag:s20], $0x4000  }
0x7a: {  	s30 =	sadd.s32 $0x70000, s30;
	p6 =	seq.s32 s0, $0xA;
	[sflag:s20] =	ssyncset.done $0x0  }
0x7b: {  	s9 =	sadd.s32 $0xFFFE0000, s30;
	s2 =	simm.s32 @!p6 $0xD;
	[sflag:s20] =	ssyncadd.s32 $0xFFFFC000  }
0x7c: {  	[hbm4b:s9+s5] =	stream.linear.scatter [tilespmem:s14], [sflag:$0x9], $0x4000, $0x38;
	[tilespmem:$0x1D3B8] =	vst v63  }
0x7d: {  	_ =	swait.ge @!p6 [sflag:s2], $0x4000  }
0x7e: {  	s31 =	sadd.s32 $0x7000, s31;
	s19 =	sadd.s32 @!p3 $0xFFFFFD00, s29;
	[sflag:s2] =	ssyncset.done @!p6 $0x0  }
0x7f: {  	s8 =	simm.s32 @!p3 $0x80;
	s18 =	simm.s32 @!p3 $0x11000;
	[sflag:s2] =	ssyncadd.s32 @!p6 $0xFFFFC000  }
0x80: {  	[tilespmem:s18], [sflag:$0x6] =	stream.indirect.gather @!p3 [spmem:s4], $0x80, s19, s8, $0xb8;
	[tilespmem:$0x1D3B8] =	vst v63  }
0x81: {  	s26 =	sadd.s32 $0xFFFFFFFB, s0;
	s13 =	sadd.s32 $0xFFFFFFFC, s0;
	_ =	swait.ge [sflag:s21], $0x4000  }
0x82: {  	s10 =	sadd.s32 $0xFFFFFFF9, s0;
	p2 =	sge.u32 s13, s6;
	[sflag:s21] =	ssyncset.done $0x0  }
0x83: {  	s11 =	sadd.s32 $0xFFFF0000, s30;
	s8 =	simm.s32 @!p6 $0xE;
	[sflag:s21] =	ssyncadd.s32 $0xFFFFC000  }
0x84: {  	[hbm4b:s11+s5] =	stream.linear.scatter [tilespmem:s15], [sflag:$0xA], $0x4000, $0x38;
	[tilespmem:$0x1D3B8] =	vst v63  }
0x85: {  	s13 =	simm.s32 @!p2 $0x80;
	p4 =	sge.u32 s26, s6;
	_ =	swait.ge @!p6 [sflag:s8], $0x4000  }
0x86: {  	p0 =	sge.u32 s10, s6;
	s9 =	simm.s32 @!p4 $0x80;
	[sflag:s8] =	ssyncset.done @!p6 $0x0  }
0x87: {  	s2 =	sadd.s32 @!p4 $0xFFFFFD80, s29;
	s19 =	simm.s32 @!p4 $0x15000;
	[sflag:s8] =	ssyncadd.s32 @!p6 $0xFFFFC000  }
0x88: {  	[tilespmem:s19], [sflag:$0x7] =	stream.indirect.gather @!p4 [spmem:s4], $0x80, s2, s9, $0xb8;
	[tilespmem:$0x1D3B8] =	vst v63  }
0x89: {  	s7 =	sadd.s32 @!p3 $0x1000, s31;
	p5 =	slt.s32 @!p0 s31, $0x18620;
	_ =	swait.ge [sflag:s22], $0x4000  }
0x8a: {  	p5 =	por !p5, p0;
	s2 =	smov.u32 s31;
	[sflag:s22] =	ssyncset.done $0x0  }
0x8b: {  	s16 =	simm.s32 @!p6 $0xF;
	s2 =	simm.s32 @p5 $0x18620;
	[sflag:s22] =	ssyncadd.s32 $0xFFFFC000  }
0x8c: {  	[hbm4b:s30+s5] =	stream.linear.scatter [tilespmem:s17], [sflag:$0xB], $0x4000, $0x38;
	[tilespmem:$0x1D3B8] =	vst v63  }
0x8d: {  	s10 =	simm.s32 @!p0 $0x5;
	s2 =	sshll.u32 @!p0 s2, $0x4;
	_ =	swait.ge @!p6 [sflag:s16], $0x4000  }
0x8e: {  	p1 =	slt.s32 @!p3 s7, $0x18620;
	s9 =	sadd.s32 @!p0 s3, s2;
	[sflag:s16] =	ssyncset.done @!p6 $0x0  }
0x8f: {  	s2 =	simm.s32 @!p2 $0x19000;
	[sflag:s16] =	ssyncadd.s32 @!p6 $0xFFFFC000;
	s16 =	sadd.s32 @!p2 $0xFFFFFE00, s29  }
0x90: {  	[tilespmem:s2], [sflag:$0x8] =	stream.indirect.gather @!p2 [spmem:s4], $0x80, s16, s13, $0xb8;
	[tilespmem:$0x1D3B8] =	vst v63  }
0x91: {  	p1 =	por !p1, p3;
	s11 =	sadd.s32 @!p4 $0x2000, s31;
	_ =	swait.ge @!p0 [sflag:s10], $0x4000  }
0x92: {  	s7 =	simm.s32 @p1 $0x18620;
	p1 =	slt.s32 @!p4 s11, $0x18620;
	[sflag:s10] =	ssyncset.done @!p0 $0x0  }
0x93: {  	s8 =	simm.s32 @!p0 $0xD000;
	s13 =	simm.s32 @!p0 $0x0;
	[sflag:s10] =	ssyncadd.s32 @!p0 $0xFFFFC000  }
0x94: {  	[hbm4b:s9+s13] =	stream.linear.scatter @!p0 [tilespmem:s8], [sflag:$0xC], $0x4000, $0x38;
	[tilespmem:$0x1D3B8] =	vst v63  }
0x95: {  	s26 =	sadd.s32 @!p2 $0x3000, s31;
	p1 =	por !p1, p4;
	_ =	swait.ge [sflag:s23], $0x4000  }
0x96: {  	s11 =	simm.s32 @p1 $0x18620;
	p1 =	slt.s32 @!p2 s26, $0x18620;
	s13 =	sld [smem:$0x7FC]  }
0x97: {  	s28 =	sadd.s32 $0x7, s28;
	p1 =	por !p1, p2  }
0x98: {  	s11 =	sshll.u32 @!p4 s11, $0x4;
	s26 =	simm.s32 @p1 $0x18620;
	[sflag:s23] =	ssyncset.done $0x0  }
0x99: {  	s8 =	simm.s32 @!p3 $0x6;
	[sflag:s23] =	ssyncadd.s32 $0xFFFFC000;
	p1 =	seq.s32 s13, $0x1  }
0x9a: {  	s9 =	simm.s32 @!p1 $0x1000;
	s13 =	sadd.s32 @!p1 $0xFFFFFE80, s29;
	s16 =	simm.s32 @!p1 $0x80  }
0x9b: {  	[tilespmem:s9], [sflag:$0x2] =	stream.indirect.gather @!p1 [spmem:s4], $0x80, s13, s16, $0xb8;
	[tilespmem:$0x1D3B8] =	vst v63  }
0x9c: {  	s7 =	sshll.u32 @!p3 s7, $0x4;
	s11 =	sadd.s32 @!p4 s3, s11;
	_ =	swait.ge @!p3 [sflag:s8], $0x4000  }
0x9d: {  	p6 =	sne.s32 s28, $0x26;
	s10 =	sadd.s32 @!p3 s3, s7;
	[sflag:s8] =	ssyncset.done @!p3 $0x0  }
0x9e: {  	s9 =	simm.s32 @!p3 $0x0;
	s16 =	sadd.s32 $0xFFFFFFFE, s0;
	[sflag:s8] =	ssyncadd.s32 @!p3 $0xFFFFC000  }
0x9f: {  	[hbm4b:s10+s9] =	stream.linear.scatter @!p3 [tilespmem:s18], [sflag:$0xD], $0x4000, $0x38;
	[tilespmem:$0x1D3B8] =	vst v63  }
0xa0: {  	s7 =	sshll.u32 @!p2 s26, $0x4;
	p5 =	sge.u32 s16, s6;
	_ =	swait.ge [sflag:s24], $0x4000  }
0xa1: {  	s13 =	simm.s32 @!p5 $0x5000;
	s8 =	simm.s32 @!p5 $0x80;
	[sflag:s24] =	ssyncset.done $0x0  }
0xa2: {  	s9 =	simm.s32 @!p4 $0x7;
	s10 =	sadd.s32 @!p5 $0xFFFFFF00, s29;
	[sflag:s24] =	ssyncadd.s32 $0xFFFFC000  }
0xa3: {  	[tilespmem:s13], [sflag:$0x3] =	stream.indirect.gather @!p5 [spmem:s4], $0x80, s10, s8, $0xb8;
	[tilespmem:$0x1D3B8] =	vst v63  }
0xa4: {  	s26 =	sadd.s32 $0xFFFFFFFF, s0;
	s7 =	sadd.s32 @!p2 s3, s7;
	_ =	swait.ge @!p4 [sflag:s9], $0x4000  }
0xa5: {  	s16 =	smov.u32 s29;
	s18 =	simm.s32 @!p2 $0x8;
	[sflag:s9] =	ssyncset.done @!p4 $0x0  }
.Ltmp4:
0xa6: {  	s8 =	simm.s32 @!p4 $0x0;
	[sflag:s9] =	ssyncadd.s32 @!p4 $0xFFFFC000;
	(pc) =	sbr.rel @p6 .LBB2_6-.Ltmp4, $4  }
0xa7: {  	[hbm4b:s11+s8] =	stream.linear.scatter @!p4 [tilespmem:s19], [sflag:$0xE], $0x4000, $0x38;
	[tilespmem:$0x1D3B8] =	vst v63  }
0xa8: {  	s29 =	sadd.s32 $0x380, s29;
	p5 =	sge.u32 s26, s6;
	_ =	swait.ge [sflag:s25], $0x4000  }
0xa9: {  	s19 =	simm.s32 @!p5 $0x80;
	p4 =	sge.u32 s0, s6;
	[sflag:s25] =	ssyncset.done $0x0  }
0xaa: {  	s0 =	sadd.s32 @!p5 $0xFFFFFF80, s16;
	s11 =	simm.s32 @!p5 $0x9000;
	[sflag:s25] =	ssyncadd.s32 $0xFFFFC000  }
0xab: {  	[tilespmem:s11], [sflag:$0x4] =	stream.indirect.gather @!p5 [spmem:s4], $0x80, s0, s19, $0xb8;
	[tilespmem:$0x1D3B8] =	vst v63  }
0xac: {  	_ =	swait.ge @!p2 [sflag:s18], $0x4000  }
0xad: {  	[sflag:s18] =	ssyncset.done @!p2 $0x0  }
0xae: {  	s0 =	simm.s32 @!p0 $0xC;
	s8 =	simm.s32 @!p2 $0x0;
	[sflag:s18] =	ssyncadd.s32 @!p2 $0xFFFFC000  }
0xaf: {  	[hbm4b:s7+s8] =	stream.linear.scatter @!p2 [tilespmem:s2], [sflag:$0xF], $0x4000, $0x38;
	[tilespmem:$0x1D3B8] =	vst v63  }
0xb0: {  	_ =	swait.ge @!p0 [sflag:s0], $0x4000  }
0xb1: {  	s2 =	simm.s32 @!p4 $0xD000;
	[sflag:s0] =	ssyncset.done @!p0 $0x0  }
0xb2: {  	s30 =	rddreg [dreg:$0xa];
	[sflag:s0] =	ssyncadd.s32 @!p0 $0xFFFFC000;
	s0 =	simm.s32 @!p4 $0x80  }
0xb3: {  	[tilespmem:s2], [sflag:$0x5] =	stream.indirect.gather @!p4 [spmem:s4], $0x80, s16, s0, $0xb8;
	[tilespmem:$0x1D3B8] =	vst v63  }
0xb4: {  	s31 =	rddreg [dreg:$0x5];
	s2 =	sadd.s32 $0x1, s30  }
0xb5: {  	p0 =	sne.s32 s2, s31  }
.Ltmp5:
0xb6: {  	_ = 	snop;
	(pc) =	sbr.rel @p0 .LBB2_1-.Ltmp5, $1  }
0xb7: {  	_ =	sdelay $0x3  }
0xb8: {  	_ =	sfence.sel $0x180000  }
0xb9: {  	[bflag:$0x0] =	sbarrier.arrive $0xFFFF  }
0xba: {  	_ =	strace $0x90000047  }
0xbb: {  	[bflag:$0x2] =	sbarrier.arrive $0xFFFF  }
0xbc: {  	s1 =	sld [smem:$0x7FD];
	_ =	sdelay $0x2  }
0xbd: {  	s0 =	rddreg [dreg:$0x4];
	p0 =	seq.s32 s1, $0x1  }
0xbe: {  	s0 =	sadd.s32 @!p0 $0x100000, s0  }
0xbf: {  	[sflag:s0] =	ssyncadd.tile.s32 @!p0 $0x1;
	_ =	shalt  }
.Lfunc_end2:
_tile_overlayer_lowered:
.L_overlay_start_2:
0xc0: {  	(tag) =	ssettag $0x2  }
0xc1: {  	s0 =	rddreg [dreg:$0x0];
	s2 =	stileid.u32  }
0xc2: {  	s1 =	rddreg [dreg:$0x1];
	p0 =	sne.s32 s2, $0x0  }
0xc3: {  	s3 =	rddreg [dreg:$0x2];
	[bflag:$0x3] =	sbarrier.arrive $0xFFFF;
	s2 =	simm.s32 @!p0 $0x1C10  }
0xc4: {  	[timem:s3], [sflag:s2] =	dma.local @!p0 [hbm:s0], s1  }
0xc5: {  	s0 =	simm.s32 @!p0 $0x10  }
0xc6: {  	_ =	swait.ge @!p0 [sflag:s0], s1  }
0xc7: {  	s1 =	ssub.s32 @!p0 $0x0, s1;
	[sflag:s0] =	ssyncset.done @!p0 $0x0  }
0xc8: {  	[sflag:s0] =	ssyncadd.s32 @!p0 s1  }
0xc9: {  	[bflag:$0x3] =	sbarrier.arrive $0xFFFF  }
0xca: {  	_ =	shalt  }

</sc_bundles>
